<compile_context>
chip_gen: v7x
topology: tpu7x:2x2x1
jax: 0.10.2.dev20260603
libtpu: 0.0.44.dev20260713+nightly
codegen_flags: <defaults>
</compile_context>

<pallas_src>
import functools
import jax
import jax.numpy as jnp
from jax import lax
from jax.experimental import pallas as pl
from jax.experimental.pallas import tpu as pltpu
from jax.experimental.pallas import tpu_sc as plsc

N_ROWS = 100000
DIM = 128
NW = 32
CHUNK = 400
CHUNKS_PER_W = -(-N_ROWS // (CHUNK * NW))
LAST_START = N_ROWS - CHUNK

_mesh = plsc.VectorSubcoreMesh(core_axis_name="c", subcore_axis_name="s")


@functools.partial(
    pl.kernel,
    mesh=_mesh,
    out_type=jax.ShapeDtypeStruct((N_ROWS, DIM), jnp.float32),
    scratch_types=[
        pltpu.VMEM((CHUNK, DIM), jnp.float32),
        pltpu.SemaphoreType.DMA,
    ],
)
def _sc_broadcast(table_hbm, out_hbm, buf, sem):
    wid = lax.axis_index("s") * 2 + lax.axis_index("c")
    pltpu.sync_copy(table_hbm, buf.at[pl.ds(0, 1)])
    row = [buf[0, pl.ds(16 * j, 16)] for j in range(DIM // 16)]

    def _fill(r, carry):
        for u in range(4):
            for j in range(DIM // 16):
                buf[r * 4 + u, pl.ds(16 * j, 16)] = row[j]
        return carry

    lax.fori_loop(1, CHUNK // 4, _fill, 0)
    for u in range(1, 4):
        for j in range(DIM // 16):
            buf[u, pl.ds(16 * j, 16)] = row[j]

    copies = []
    for k in range(CHUNKS_PER_W):
        start = jnp.minimum((wid * CHUNKS_PER_W + k) * CHUNK, LAST_START)
        copies.append(pltpu.async_copy(buf, out_hbm.at[pl.ds(start, CHUNK)], sem))
    for c in copies:
        c.wait()


def kernel(indices, table):
    del indices
    return _sc_broadcast(table)

# --- scband reference (transcript-rebuilt; emitter-appended) ---
"""Pipeline reference for scband-dummy-node-encoder-72610717106377 (READ-ONLY COPY).

The authoritative reference and input builder live on the scoring server;
editing this copy changes nothing except your own understanding.
"""

import jax, jax.numpy as jnp
import numpy as np

N_NODES = 100000
OUT_DIM = 128

def setup_inputs(seed: int = 0) -> dict:
    key = jax.random.key(seed)
    # dummy node indices: all zeros, pointing at the single embedding row
    indices = jnp.zeros((N_NODES,), dtype=jnp.int32)
    # learned embedding table: num_embeddings=1, embedding_dim=out_dim
    table = jax.random.normal(jax.random.fold_in(key, 1), (1, OUT_DIM), dtype=jnp.float32)
    return {"indices": indices, "table": table}

def reference(indices, table):
    # data['node_h'] = self.encoder(dummy_x)  -> embedding gather
    node_h = jnp.take(table, indices, axis=0)
    return node_h

if __name__ == "__main__":
    import jax
    _d = setup_inputs()
    print(jax.jit(kernel)(*tuple(_d.values())))

</pallas_src>

<mosaic_0001>
#map = affine_map<(d0, d1) -> (0, 0)>
module attributes {stable_mosaic.version = 14 : i64} {
  func.func @_sc_broadcast(%arg0: i32, %arg1: i32, %arg2: memref<1x128xf32, #tpu.memory_space<hbm>>, %arg3: memref<100000x128xf32, #tpu.memory_space<hbm>>, %arg4: memref<400x128xf32, #tpu.memory_space<vmem>>, %arg5: memref<!tpu.dma_semaphore, #tpu.memory_space<semaphore_mem>>) attributes {dimension_semantics = [#tpu.dimension_semantics<core_parallel>, #tpu.dimension_semantics<subcore_parallel>], iteration_bounds = array<i64: 2, 16>, scalar_prefetch = 0 : i64, scratch_operands = 2 : i64, tpu.core_type = #tpu.core_type<sc_vector_subcore>, window_params = [{transform_indices = #map}, {transform_indices = #map}]} {
    %mul3A = arith.constant 2 : i32
    %mul3A_0 = arith.muli %arg1, %mul3A : i32
    %add3A = arith.addi %mul3A_0, %arg0 : i32
    "tpu.region"() ({
      %run_scoped3A = tpu.sem_alloc : memref<!tpu.dma_semaphore, #tpu.memory_space<semaphore_mem>>
      %dma_start3A_313 = arith.constant 0 : i32
      %dma_start3A_314 = arith.constant 0 : i32
      %dma_start3A_315 = tpu.memref_slice %arg4[%dma_start3A_313, %dma_start3A_314] : memref<400x128xf32, #tpu.memory_space<vmem>> -> memref<1x128xf32, #tpu.memory_space<vmem>>
      %dma_start3A_316 = arith.constant 0 : i32
      %dma_start3A_317 = arith.constant 0 : i32
      %dma_start3A_318 = tpu.memref_slice %arg4[%dma_start3A_316, %dma_start3A_317] : memref<400x128xf32, #tpu.memory_space<vmem>> -> memref<1x128xf32, #tpu.memory_space<vmem>>
      tpu.enqueue_dma source(%arg2 : memref<1x128xf32, #tpu.memory_space<hbm>>) target(%dma_start3A_318 : memref<1x128xf32, #tpu.memory_space<vmem>>) target_semaphore(%run_scoped3A : memref<!tpu.dma_semaphore, #tpu.memory_space<semaphore_mem>>)
      %dma_wait3A_319 = arith.constant 0 : i32
      %dma_wait3A_320 = arith.constant 0 : i32
      %dma_wait3A_321 = tpu.memref_slice %arg4[%dma_wait3A_319, %dma_wait3A_320] : memref<400x128xf32, #tpu.memory_space<vmem>> -> memref<1x128xf32, #tpu.memory_space<vmem>>
      %dma_wait3A_322 = arith.constant 0 : i32
      %dma_wait3A_323 = arith.constant 0 : i32
      %dma_wait3A_324 = tpu.memref_slice %arg4[%dma_wait3A_322, %dma_wait3A_323] : memref<400x128xf32, #tpu.memory_space<vmem>> -> memref<1x128xf32, #tpu.memory_space<vmem>>
      tpu.wait_dma2 semaphore(%run_scoped3A : memref<!tpu.dma_semaphore, #tpu.memory_space<semaphore_mem>>) src(%arg2 : memref<1x128xf32, #tpu.memory_space<hbm>>) dst(%dma_wait3A_324 : memref<1x128xf32, #tpu.memory_space<vmem>>)
      tpu.yield
    }) : () -> ()
    %get3A = arith.constant 0 : i32
    %get3A_1 = arith.index_cast %get3A : i32 to index
    %get3A_2 = arith.constant 0 : index
    %get3A_3 = tpu.vector_load %arg4[%get3A_1, %get3A_2] {strides = array<i32>} : memref<400x128xf32, #tpu.memory_space<vmem>>, vector<1x16xf32>,
    %get3A_4 = vector.shape_cast %get3A_3 : vector<1x16xf32> to vector<16xf32>
    %get3A_5 = arith.constant 0 : i32
    %get3A_6 = arith.index_cast %get3A_5 : i32 to index
    %get3A_7 = arith.constant 16 : index
    %get3A_8 = tpu.vector_load %arg4[%get3A_6, %get3A_7] {strides = array<i32>} : memref<400x128xf32, #tpu.memory_space<vmem>>, vector<1x16xf32>,
    %get3A_9 = vector.shape_cast %get3A_8 : vector<1x16xf32> to vector<16xf32>
    %get3A_10 = arith.constant 0 : i32
    %get3A_11 = arith.index_cast %get3A_10 : i32 to index
    %get3A_12 = arith.constant 32 : index
    %get3A_13 = tpu.vector_load %arg4[%get3A_11, %get3A_12] {strides = array<i32>} : memref<400x128xf32, #tpu.memory_space<vmem>>, vector<1x16xf32>,
    %get3A_14 = vector.shape_cast %get3A_13 : vector<1x16xf32> to vector<16xf32>
    %get3A_15 = arith.constant 0 : i32
    %get3A_16 = arith.index_cast %get3A_15 : i32 to index
    %get3A_17 = arith.constant 48 : index
    %get3A_18 = tpu.vector_load %arg4[%get3A_16, %get3A_17] {strides = array<i32>} : memref<400x128xf32, #tpu.memory_space<vmem>>, vector<1x16xf32>,
    %get3A_19 = vector.shape_cast %get3A_18 : vector<1x16xf32> to vector<16xf32>
    %get3A_20 = arith.constant 0 : i32
    %get3A_21 = arith.index_cast %get3A_20 : i32 to index
    %get3A_22 = arith.constant 64 : index
    %get3A_23 = tpu.vector_load %arg4[%get3A_21, %get3A_22] {strides = array<i32>} : memref<400x128xf32, #tpu.memory_space<vmem>>, vector<1x16xf32>,
    %get3A_24 = vector.shape_cast %get3A_23 : vector<1x16xf32> to vector<16xf32>
    %get3A_25 = arith.constant 0 : i32
    %get3A_26 = arith.index_cast %get3A_25 : i32 to index
    %get3A_27 = arith.constant 80 : index
    %get3A_28 = tpu.vector_load %arg4[%get3A_26, %get3A_27] {strides = array<i32>} : memref<400x128xf32, #tpu.memory_space<vmem>>, vector<1x16xf32>,
    %get3A_29 = vector.shape_cast %get3A_28 : vector<1x16xf32> to vector<16xf32>
    %get3A_30 = arith.constant 0 : i32
    %get3A_31 = arith.index_cast %get3A_30 : i32 to index
    %get3A_32 = arith.constant 96 : index
    %get3A_33 = tpu.vector_load %arg4[%get3A_31, %get3A_32] {strides = array<i32>} : memref<400x128xf32, #tpu.memory_space<vmem>>, vector<1x16xf32>,
    %get3A_34 = vector.shape_cast %get3A_33 : vector<1x16xf32> to vector<16xf32>
    %get3A_35 = arith.constant 0 : i32
    %get3A_36 = arith.index_cast %get3A_35 : i32 to index
    %get3A_37 = arith.constant 112 : index
    %get3A_38 = tpu.vector_load %arg4[%get3A_36, %get3A_37] {strides = array<i32>} : memref<400x128xf32, #tpu.memory_space<vmem>>, vector<1x16xf32>,
    %get3A_39 = vector.shape_cast %get3A_38 : vector<1x16xf32> to vector<16xf32>
    %scan3A = arith.constant 0 : i32
    %scan3A_40 = arith.constant 1 : i32
    %scan3A_41 = arith.constant 99 : i32
    %scan3A_42 = arith.addi %scan3A_40, %scan3A_41 : i32
    %scan3A_43 = arith.constant 1 : i32
    scf.for %scan3A_313 = %scan3A_40 to %scan3A_42 step %scan3A_43  : i32 {
      %mul3A_314 = arith.constant 4 : i32
      %mul3A_315 = arith.muli %scan3A_313, %mul3A_314 : i32
      %add3A_316 = arith.constant 0 : i32
      %add3A_317 = arith.addi %mul3A_315, %add3A_316 : i32
      %swap3A_318 = arith.index_cast %add3A_317 : i32 to index
      %swap3A_319 = arith.constant 0 : index
      %swap3A_320 = tpu.vector_load %arg4[%swap3A_318, %swap3A_319] {strides = array<i32>} : memref<400x128xf32, #tpu.memory_space<vmem>>, vector<1x16xf32>,
      %swap3A_321 = vector.shape_cast %swap3A_320 : vector<1x16xf32> to vector<16xf32>
      %swap3A_322 = vector.shape_cast %get3A_4 : vector<16xf32> to vector<1x16xf32>
      tpu.vector_store %arg4[%swap3A_318, %swap3A_319], %swap3A_322 {strides = array<i32>} : memref<400x128xf32, #tpu.memory_space<vmem>>, vector<1x16xf32>,
      %mul3A_323 = arith.constant 4 : i32
      %mul3A_324 = arith.muli %scan3A_313, %mul3A_323 : i32
      %add3A_325 = arith.constant 0 : i32
      %add3A_326 = arith.addi %mul3A_324, %add3A_325 : i32
      %swap3A_327 = arith.index_cast %add3A_326 : i32 to index
      %swap3A_328 = arith.constant 16 : index
      %swap3A_329 = tpu.vector_load %arg4[%swap3A_327, %swap3A_328] {strides = array<i32>} : memref<400x128xf32, #tpu.memory_space<vmem>>, vector<1x16xf32>,
      %swap3A_330 = vector.shape_cast %swap3A_329 : vector<1x16xf32> to vector<16xf32>
      %swap3A_331 = vector.shape_cast %get3A_9 : vector<16xf32> to vector<1x16xf32>
      tpu.vector_store %arg4[%swap3A_327, %swap3A_328], %swap3A_331 {strides = array<i32>} : memref<400x128xf32, #tpu.memory_space<vmem>>, vector<1x16xf32>,
      %mul3A_332 = arith.constant 4 : i32
      %mul3A_333 = arith.muli %scan3A_313, %mul3A_332 : i32
      %add3A_334 = arith.constant 0 : i32
      %add3A_335 = arith.addi %mul3A_333, %add3A_334 : i32
      %swap3A_336 = arith.index_cast %add3A_335 : i32 to index
      %swap3A_337 = arith.constant 32 : index
      %swap3A_338 = tpu.vector_load %arg4[%swap3A_336, %swap3A_337] {strides = array<i32>} : memref<400x128xf32, #tpu.memory_space<vmem>>, vector<1x16xf32>,
      %swap3A_339 = vector.shape_cast %swap3A_338 : vector<1x16xf32> to vector<16xf32>
      %swap3A_340 = vector.shape_cast %get3A_14 : vector<16xf32> to vector<1x16xf32>
      tpu.vector_store %arg4[%swap3A_336, %swap3A_337], %swap3A_340 {strides = array<i32>} : memref<400x128xf32, #tpu.memory_space<vmem>>, vector<1x16xf32>,
      %mul3A_341 = arith.constant 4 : i32
      %mul3A_342 = arith.muli %scan3A_313, %mul3A_341 : i32
      %add3A_343 = arith.constant 0 : i32
      %add3A_344 = arith.addi %mul3A_342, %add3A_343 : i32
      %swap3A_345 = arith.index_cast %add3A_344 : i32 to index
      %swap3A_346 = arith.constant 48 : index
      %swap3A_347 = tpu.vector_load %arg4[%swap3A_345, %swap3A_346] {strides = array<i32>} : memref<400x128xf32, #tpu.memory_space<vmem>>, vector<1x16xf32>,
      %swap3A_348 = vector.shape_cast %swap3A_347 : vector<1x16xf32> to vector<16xf32>
      %swap3A_349 = vector.shape_cast %get3A_19 : vector<16xf32> to vector<1x16xf32>
      tpu.vector_store %arg4[%swap3A_345, %swap3A_346], %swap3A_349 {strides = array<i32>} : memref<400x128xf32, #tpu.memory_space<vmem>>, vector<1x16xf32>,
      %mul3A_350 = arith.constant 4 : i32
      %mul3A_351 = arith.muli %scan3A_313, %mul3A_350 : i32
      %add3A_352 = arith.constant 0 : i32
      %add3A_353 = arith.addi %mul3A_351, %add3A_352 : i32
      %swap3A_354 = arith.index_cast %add3A_353 : i32 to index
      %swap3A_355 = arith.constant 64 : index
      %swap3A_356 = tpu.vector_load %arg4[%swap3A_354, %swap3A_355] {strides = array<i32>} : memref<400x128xf32, #tpu.memory_space<vmem>>, vector<1x16xf32>,
      %swap3A_357 = vector.shape_cast %swap3A_356 : vector<1x16xf32> to vector<16xf32>
      %swap3A_358 = vector.shape_cast %get3A_24 : vector<16xf32> to vector<1x16xf32>
      tpu.vector_store %arg4[%swap3A_354, %swap3A_355], %swap3A_358 {strides = array<i32>} : memref<400x128xf32, #tpu.memory_space<vmem>>, vector<1x16xf32>,
      %mul3A_359 = arith.constant 4 : i32
      %mul3A_360 = arith.muli %scan3A_313, %mul3A_359 : i32
      %add3A_361 = arith.constant 0 : i32
      %add3A_362 = arith.addi %mul3A_360, %add3A_361 : i32
      %swap3A_363 = arith.index_cast %add3A_362 : i32 to index
      %swap3A_364 = arith.constant 80 : index
      %swap3A_365 = tpu.vector_load %arg4[%swap3A_363, %swap3A_364] {strides = array<i32>} : memref<400x128xf32, #tpu.memory_space<vmem>>, vector<1x16xf32>,
      %swap3A_366 = vector.shape_cast %swap3A_365 : vector<1x16xf32> to vector<16xf32>
      %swap3A_367 = vector.shape_cast %get3A_29 : vector<16xf32> to vector<1x16xf32>
      tpu.vector_store %arg4[%swap3A_363, %swap3A_364], %swap3A_367 {strides = array<i32>} : memref<400x128xf32, #tpu.memory_space<vmem>>, vector<1x16xf32>,
      %mul3A_368 = arith.constant 4 : i32
      %mul3A_369 = arith.muli %scan3A_313, %mul3A_368 : i32
      %add3A_370 = arith.constant 0 : i32
      %add3A_371 = arith.addi %mul3A_369, %add3A_370 : i32
      %swap3A_372 = arith.index_cast %add3A_371 : i32 to index
      %swap3A_373 = arith.constant 96 : index
      %swap3A_374 = tpu.vector_load %arg4[%swap3A_372, %swap3A_373] {strides = array<i32>} : memref<400x128xf32, #tpu.memory_space<vmem>>, vector<1x16xf32>,
      %swap3A_375 = vector.shape_cast %swap3A_374 : vector<1x16xf32> to vector<16xf32>
      %swap3A_376 = vector.shape_cast %get3A_34 : vector<16xf32> to vector<1x16xf32>
      tpu.vector_store %arg4[%swap3A_372, %swap3A_373], %swap3A_376 {strides = array<i32>} : memref<400x128xf32, #tpu.memory_space<vmem>>, vector<1x16xf32>,
      %mul3A_377 = arith.constant 4 : i32
      %mul3A_378 = arith.muli %scan3A_313, %mul3A_377 : i32
      %add3A_379 = arith.constant 0 : i32
      %add3A_380 = arith.addi %mul3A_378, %add3A_379 : i32
      %swap3A_381 = arith.index_cast %add3A_380 : i32 to index
      %swap3A_382 = arith.constant 112 : index
      %swap3A_383 = tpu.vector_load %arg4[%swap3A_381, %swap3A_382] {strides = array<i32>} : memref<400x128xf32, #tpu.memory_space<vmem>>, vector<1x16xf32>,
      %swap3A_384 = vector.shape_cast %swap3A_383 : vector<1x16xf32> to vector<16xf32>
      %swap3A_385 = vector.shape_cast %get3A_39 : vector<16xf32> to vector<1x16xf32>
      tpu.vector_store %arg4[%swap3A_381, %swap3A_382], %swap3A_385 {strides = array<i32>} : memref<400x128xf32, #tpu.memory_space<vmem>>, vector<1x16xf32>,
      %mul3A_386 = arith.constant 4 : i32
      %mul3A_387 = arith.muli %scan3A_313, %mul3A_386 : i32
      %add3A_388 = arith.constant 1 : i32
      %add3A_389 = arith.addi %mul3A_387, %add3A_388 : i32
      %swap3A_390 = arith.index_cast %add3A_389 : i32 to index
      %swap3A_391 = arith.constant 0 : index
      %swap3A_392 = tpu.vector_load %arg4[%swap3A_390, %swap3A_391] {strides = array<i32>} : memref<400x128xf32, #tpu.memory_space<vmem>>, vector<1x16xf32>,
      %swap3A_393 = vector.shape_cast %swap3A_392 : vector<1x16xf32> to vector<16xf32>
      %swap3A_394 = vector.shape_cast %get3A_4 : vector<16xf32> to vector<1x16xf32>
      tpu.vector_store %arg4[%swap3A_390, %swap3A_391], %swap3A_394 {strides = array<i32>} : memref<400x128xf32, #tpu.memory_space<vmem>>, vector<1x16xf32>,
      %mul3A_395 = arith.constant 4 : i32
      %mul3A_396 = arith.muli %scan3A_313, %mul3A_395 : i32
      %add3A_397 = arith.constant 1 : i32
      %add3A_398 = arith.addi %mul3A_396, %add3A_397 : i32
      %swap3A_399 = arith.index_cast %add3A_398 : i32 to index
      %swap3A_400 = arith.constant 16 : index
      %swap3A_401 = tpu.vector_load %arg4[%swap3A_399, %swap3A_400] {strides = array<i32>} : memref<400x128xf32, #tpu.memory_space<vmem>>, vector<1x16xf32>,
      %swap3A_402 = vector.shape_cast %swap3A_401 : vector<1x16xf32> to vector<16xf32>
      %swap3A_403 = vector.shape_cast %get3A_9 : vector<16xf32> to vector<1x16xf32>
      tpu.vector_store %arg4[%swap3A_399, %swap3A_400], %swap3A_403 {strides = array<i32>} : memref<400x128xf32, #tpu.memory_space<vmem>>, vector<1x16xf32>,
      %mul3A_404 = arith.constant 4 : i32
      %mul3A_405 = arith.muli %scan3A_313, %mul3A_404 : i32
      %add3A_406 = arith.constant 1 : i32
      %add3A_407 = arith.addi %mul3A_405, %add3A_406 : i32
      %swap3A_408 = arith.index_cast %add3A_407 : i32 to index
      %swap3A_409 = arith.constant 32 : index
      %swap3A_410 = tpu.vector_load %arg4[%swap3A_408, %swap3A_409] {strides = array<i32>} : memref<400x128xf32, #tpu.memory_space<vmem>>, vector<1x16xf32>,
      %swap3A_411 = vector.shape_cast %swap3A_410 : vector<1x16xf32> to vector<16xf32>
      %swap3A_412 = vector.shape_cast %get3A_14 : vector<16xf32> to vector<1x16xf32>
      tpu.vector_store %arg4[%swap3A_408, %swap3A_409], %swap3A_412 {strides = array<i32>} : memref<400x128xf32, #tpu.memory_space<vmem>>, vector<1x16xf32>,
      %mul3A_413 = arith.constant 4 : i32
      %mul3A_414 = arith.muli %scan3A_313, %mul3A_413 : i32
      %add3A_415 = arith.constant 1 : i32
      %add3A_416 = arith.addi %mul3A_414, %add3A_415 : i32
      %swap3A_417 = arith.index_cast %add3A_416 : i32 to index
      %swap3A_418 = arith.constant 48 : index
      %swap3A_419 = tpu.vector_load %arg4[%swap3A_417, %swap3A_418] {strides = array<i32>} : memref<400x128xf32, #tpu.memory_space<vmem>>, vector<1x16xf32>,
      %swap3A_420 = vector.shape_cast %swap3A_419 : vector<1x16xf32> to vector<16xf32>
      %swap3A_421 = vector.shape_cast %get3A_19 : vector<16xf32> to vector<1x16xf32>
      tpu.vector_store %arg4[%swap3A_417, %swap3A_418], %swap3A_421 {strides = array<i32>} : memref<400x128xf32, #tpu.memory_space<vmem>>, vector<1x16xf32>,
      %mul3A_422 = arith.constant 4 : i32
      %mul3A_423 = arith.muli %scan3A_313, %mul3A_422 : i32
      %add3A_424 = arith.constant 1 : i32
      %add3A_425 = arith.addi %mul3A_423, %add3A_424 : i32
      %swap3A_426 = arith.index_cast %add3A_425 : i32 to index
      %swap3A_427 = arith.constant 64 : index
      %swap3A_428 = tpu.vector_load %arg4[%swap3A_426, %swap3A_427] {strides = array<i32>} : memref<400x128xf32, #tpu.memory_space<vmem>>, vector<1x16xf32>,
      %swap3A_429 = vector.shape_cast %swap3A_428 : vector<1x16xf32> to vector<16xf32>
      %swap3A_430 = vector.shape_cast %get3A_24 : vector<16xf32> to vector<1x16xf32>
      tpu.vector_store %arg4[%swap3A_426, %swap3A_427], %swap3A_430 {strides = array<i32>} : memref<400x128xf32, #tpu.memory_space<vmem>>, vector<1x16xf32>,
      %mul3A_431 = arith.constant 4 : i32
      %mul3A_432 = arith.muli %scan3A_313, %mul3A_431 : i32
      %add3A_433 = arith.constant 1 : i32
      %add3A_434 = arith.addi %mul3A_432, %add3A_433 : i32
      %swap3A_435 = arith.index_cast %add3A_434 : i32 to index
      %swap3A_436 = arith.constant 80 : index
      %swap3A_437 = tpu.vector_load %arg4[%swap3A_435, %swap3A_436] {strides = array<i32>} : memref<400x128xf32, #tpu.memory_space<vmem>>, vector<1x16xf32>,
      %swap3A_438 = vector.shape_cast %swap3A_437 : vector<1x16xf32> to vector<16xf32>
      %swap3A_439 = vector.shape_cast %get3A_29 : vector<16xf32> to vector<1x16xf32>
      tpu.vector_store %arg4[%swap3A_435, %swap3A_436], %swap3A_439 {strides = array<i32>} : memref<400x128xf32, #tpu.memory_space<vmem>>, vector<1x16xf32>,
      %mul3A_440 = arith.constant 4 : i32
      %mul3A_441 = arith.muli %scan3A_313, %mul3A_440 : i32
      %add3A_442 = arith.constant 1 : i32
      %add3A_443 = arith.addi %mul3A_441, %add3A_442 : i32
      %swap3A_444 = arith.index_cast %add3A_443 : i32 to index
      %swap3A_445 = arith.constant 96 : index
      %swap3A_446 = tpu.vector_load %arg4[%swap3A_444, %swap3A_445] {strides = array<i32>} : memref<400x128xf32, #tpu.memory_space<vmem>>, vector<1x16xf32>,
      %swap3A_447 = vector.shape_cast %swap3A_446 : vector<1x16xf32> to vector<16xf32>
      %swap3A_448 = vector.shape_cast %get3A_34 : vector<16xf32> to vector<1x16xf32>
      tpu.vector_store %arg4[%swap3A_444, %swap3A_445], %swap3A_448 {strides = array<i32>} : memref<400x128xf32, #tpu.memory_space<vmem>>, vector<1x16xf32>,
      %mul3A_449 = arith.constant 4 : i32
      %mul3A_450 = arith.muli %scan3A_313, %mul3A_449 : i32
      %add3A_451 = arith.constant 1 : i32
      %add3A_452 = arith.addi %mul3A_450, %add3A_451 : i32
      %swap3A_453 = arith.index_cast %add3A_452 : i32 to index
      %swap3A_454 = arith.constant 112 : index
      %swap3A_455 = tpu.vector_load %arg4[%swap3A_453, %swap3A_454] {strides = array<i32>} : memref<400x128xf32, #tpu.memory_space<vmem>>, vector<1x16xf32>,
      %swap3A_456 = vector.shape_cast %swap3A_455 : vector<1x16xf32> to vector<16xf32>
      %swap3A_457 = vector.shape_cast %get3A_39 : vector<16xf32> to vector<1x16xf32>
      tpu.vector_store %arg4[%swap3A_453, %swap3A_454], %swap3A_457 {strides = array<i32>} : memref<400x128xf32, #tpu.memory_space<vmem>>, vector<1x16xf32>,
      %mul3A_458 = arith.constant 4 : i32
      %mul3A_459 = arith.muli %scan3A_313, %mul3A_458 : i32
      %add3A_460 = arith.constant 2 : i32
      %add3A_461 = arith.addi %mul3A_459, %add3A_460 : i32
      %swap3A_462 = arith.index_cast %add3A_461 : i32 to index
      %swap3A_463 = arith.constant 0 : index
      %swap3A_464 = tpu.vector_load %arg4[%swap3A_462, %swap3A_463] {strides = array<i32>} : memref<400x128xf32, #tpu.memory_space<vmem>>, vector<1x16xf32>,
      %swap3A_465 = vector.shape_cast %swap3A_464 : vector<1x16xf32> to vector<16xf32>
      %swap3A_466 = vector.shape_cast %get3A_4 : vector<16xf32> to vector<1x16xf32>
      tpu.vector_store %arg4[%swap3A_462, %swap3A_463], %swap3A_466 {strides = array<i32>} : memref<400x128xf32, #tpu.memory_space<vmem>>, vector<1x16xf32>,
      %mul3A_467 = arith.constant 4 : i32
      %mul3A_468 = arith.muli %scan3A_313, %mul3A_467 : i32
      %add3A_469 = arith.constant 2 : i32
      %add3A_470 = arith.addi %mul3A_468, %add3A_469 : i32
      %swap3A_471 = arith.index_cast %add3A_470 : i32 to index
      %swap3A_472 = arith.constant 16 : index
      %swap3A_473 = tpu.vector_load %arg4[%swap3A_471, %swap3A_472] {strides = array<i32>} : memref<400x128xf32, #tpu.memory_space<vmem>>, vector<1x16xf32>,
      %swap3A_474 = vector.shape_cast %swap3A_473 : vector<1x16xf32> to vector<16xf32>
      %swap3A_475 = vector.shape_cast %get3A_9 : vector<16xf32> to vector<1x16xf32>
      tpu.vector_store %arg4[%swap3A_471, %swap3A_472], %swap3A_475 {strides = array<i32>} : memref<400x128xf32, #tpu.memory_space<vmem>>, vector<1x16xf32>,
      %mul3A_476 = arith.constant 4 : i32
      %mul3A_477 = arith.muli %scan3A_313, %mul3A_476 : i32
      %add3A_478 = arith.constant 2 : i32
      %add3A_479 = arith.addi %mul3A_477, %add3A_478 : i32
      %swap3A_480 = arith.index_cast %add3A_479 : i32 to index
      %swap3A_481 = arith.constant 32 : index
      %swap3A_482 = tpu.vector_load %arg4[%swap3A_480, %swap3A_481] {strides = array<i32>} : memref<400x128xf32, #tpu.memory_space<vmem>>, vector<1x16xf32>,
      %swap3A_483 = vector.shape_cast %swap3A_482 : vector<1x16xf32> to vector<16xf32>
      %swap3A_484 = vector.shape_cast %get3A_14 : vector<16xf32> to vector<1x16xf32>
      tpu.vector_store %arg4[%swap3A_480, %swap3A_481], %swap3A_484 {strides = array<i32>} : memref<400x128xf32, #tpu.memory_space<vmem>>, vector<1x16xf32>,
      %mul3A_485 = arith.constant 4 : i32
      %mul3A_486 = arith.muli %scan3A_313, %mul3A_485 : i32
      %add3A_487 = arith.constant 2 : i32
      %add3A_488 = arith.addi %mul3A_486, %add3A_487 : i32
      %swap3A_489 = arith.index_cast %add3A_488 : i32 to index
      %swap3A_490 = arith.constant 48 : index
      %swap3A_491 = tpu.vector_load %arg4[%swap3A_489, %swap3A_490] {strides = array<i32>} : memref<400x128xf32, #tpu.memory_space<vmem>>, vector<1x16xf32>,
      %swap3A_492 = vector.shape_cast %swap3A_491 : vector<1x16xf32> to vector<16xf32>
      %swap3A_493 = vector.shape_cast %get3A_19 : vector<16xf32> to vector<1x16xf32>
      tpu.vector_store %arg4[%swap3A_489, %swap3A_490], %swap3A_493 {strides = array<i32>} : memref<400x128xf32, #tpu.memory_space<vmem>>, vector<1x16xf32>,
      %mul3A_494 = arith.constant 4 : i32
      %mul3A_495 = arith.muli %scan3A_313, %mul3A_494 : i32
      %add3A_496 = arith.constant 2 : i32
      %add3A_497 = arith.addi %mul3A_495, %add3A_496 : i32
      %swap3A_498 = arith.index_cast %add3A_497 : i32 to index
      %swap3A_499 = arith.constant 64 : index
      %swap3A_500 = tpu.vector_load %arg4[%swap3A_498, %swap3A_499] {strides = array<i32>} : memref<400x128xf32, #tpu.memory_space<vmem>>, vector<1x16xf32>,
      %swap3A_501 = vector.shape_cast %swap3A_500 : vector<1x16xf32> to vector<16xf32>
      %swap3A_502 = vector.shape_cast %get3A_24 : vector<16xf32> to vector<1x16xf32>
      tpu.vector_store %arg4[%swap3A_498, %swap3A_499], %swap3A_502 {strides = array<i32>} : memref<400x128xf32, #tpu.memory_space<vmem>>, vector<1x16xf32>,
      %mul3A_503 = arith.constant 4 : i32
      %mul3A_504 = arith.muli %scan3A_313, %mul3A_503 : i32
      %add3A_505 = arith.constant 2 : i32
      %add3A_506 = arith.addi %mul3A_504, %add3A_505 : i32
      %swap3A_507 = arith.index_cast %add3A_506 : i32 to index
      %swap3A_508 = arith.constant 80 : index
      %swap3A_509 = tpu.vector_load %arg4[%swap3A_507, %swap3A_508] {strides = array<i32>} : memref<400x128xf32, #tpu.memory_space<vmem>>, vector<1x16xf32>,
      %swap3A_510 = vector.shape_cast %swap3A_509 : vector<1x16xf32> to vector<16xf32>
      %swap3A_511 = vector.shape_cast %get3A_29 : vector<16xf32> to vector<1x16xf32>
      tpu.vector_store %arg4[%swap3A_507, %swap3A_508], %swap3A_511 {strides = array<i32>} : memref<400x128xf32, #tpu.memory_space<vmem>>, vector<1x16xf32>,
      %mul3A_512 = arith.constant 4 : i32
      %mul3A_513 = arith.muli %scan3A_313, %mul3A_512 : i32
      %add3A_514 = arith.constant 2 : i32
      %add3A_515 = arith.addi %mul3A_513, %add3A_514 : i32
      %swap3A_516 = arith.index_cast %add3A_515 : i32 to index
      %swap3A_517 = arith.constant 96 : index
      %swap3A_518 = tpu.vector_load %arg4[%swap3A_516, %swap3A_517] {strides = array<i32>} : memref<400x128xf32, #tpu.memory_space<vmem>>, vector<1x16xf32>,
      %swap3A_519 = vector.shape_cast %swap3A_518 : vector<1x16xf32> to vector<16xf32>
      %swap3A_520 = vector.shape_cast %get3A_34 : vector<16xf32> to vector<1x16xf32>
      tpu.vector_store %arg4[%swap3A_516, %swap3A_517], %swap3A_520 {strides = array<i32>} : memref<400x128xf32, #tpu.memory_space<vmem>>, vector<1x16xf32>,
      %mul3A_521 = arith.constant 4 : i32
      %mul3A_522 = arith.muli %scan3A_313, %mul3A_521 : i32
      %add3A_523 = arith.constant 2 : i32
      %add3A_524 = arith.addi %mul3A_522, %add3A_523 : i32
      %swap3A_525 = arith.index_cast %add3A_524 : i32 to index
      %swap3A_526 = arith.constant 112 : index
      %swap3A_527 = tpu.vector_load %arg4[%swap3A_525, %swap3A_526] {strides = array<i32>} : memref<400x128xf32, #tpu.memory_space<vmem>>, vector<1x16xf32>,
      %swap3A_528 = vector.shape_cast %swap3A_527 : vector<1x16xf32> to vector<16xf32>
      %swap3A_529 = vector.shape_cast %get3A_39 : vector<16xf32> to vector<1x16xf32>
      tpu.vector_store %arg4[%swap3A_525, %swap3A_526], %swap3A_529 {strides = array<i32>} : memref<400x128xf32, #tpu.memory_space<vmem>>, vector<1x16xf32>,
      %mul3A_530 = arith.constant 4 : i32
      %mul3A_531 = arith.muli %scan3A_313, %mul3A_530 : i32
      %add3A_532 = arith.constant 3 : i32
      %add3A_533 = arith.addi %mul3A_531, %add3A_532 : i32
      %swap3A_534 = arith.index_cast %add3A_533 : i32 to index
      %swap3A_535 = arith.constant 0 : index
      %swap3A_536 = tpu.vector_load %arg4[%swap3A_534, %swap3A_535] {strides = array<i32>} : memref<400x128xf32, #tpu.memory_space<vmem>>, vector<1x16xf32>,
      %swap3A_537 = vector.shape_cast %swap3A_536 : vector<1x16xf32> to vector<16xf32>
      %swap3A_538 = vector.shape_cast %get3A_4 : vector<16xf32> to vector<1x16xf32>
      tpu.vector_store %arg4[%swap3A_534, %swap3A_535], %swap3A_538 {strides = array<i32>} : memref<400x128xf32, #tpu.memory_space<vmem>>, vector<1x16xf32>,
      %mul3A_539 = arith.constant 4 : i32
      %mul3A_540 = arith.muli %scan3A_313, %mul3A_539 : i32
      %add3A_541 = arith.constant 3 : i32
      %add3A_542 = arith.addi %mul3A_540, %add3A_541 : i32
      %swap3A_543 = arith.index_cast %add3A_542 : i32 to index
      %swap3A_544 = arith.constant 16 : index
      %swap3A_545 = tpu.vector_load %arg4[%swap3A_543, %swap3A_544] {strides = array<i32>} : memref<400x128xf32, #tpu.memory_space<vmem>>, vector<1x16xf32>,
      %swap3A_546 = vector.shape_cast %swap3A_545 : vector<1x16xf32> to vector<16xf32>
      %swap3A_547 = vector.shape_cast %get3A_9 : vector<16xf32> to vector<1x16xf32>
      tpu.vector_store %arg4[%swap3A_543, %swap3A_544], %swap3A_547 {strides = array<i32>} : memref<400x128xf32, #tpu.memory_space<vmem>>, vector<1x16xf32>,
      %mul3A_548 = arith.constant 4 : i32
      %mul3A_549 = arith.muli %scan3A_313, %mul3A_548 : i32
      %add3A_550 = arith.constant 3 : i32
      %add3A_551 = arith.addi %mul3A_549, %add3A_550 : i32
      %swap3A_552 = arith.index_cast %add3A_551 : i32 to index
      %swap3A_553 = arith.constant 32 : index
      %swap3A_554 = tpu.vector_load %arg4[%swap3A_552, %swap3A_553] {strides = array<i32>} : memref<400x128xf32, #tpu.memory_space<vmem>>, vector<1x16xf32>,
      %swap3A_555 = vector.shape_cast %swap3A_554 : vector<1x16xf32> to vector<16xf32>
      %swap3A_556 = vector.shape_cast %get3A_14 : vector<16xf32> to vector<1x16xf32>
      tpu.vector_store %arg4[%swap3A_552, %swap3A_553], %swap3A_556 {strides = array<i32>} : memref<400x128xf32, #tpu.memory_space<vmem>>, vector<1x16xf32>,
      %mul3A_557 = arith.constant 4 : i32
      %mul3A_558 = arith.muli %scan3A_313, %mul3A_557 : i32
      %add3A_559 = arith.constant 3 : i32
      %add3A_560 = arith.addi %mul3A_558, %add3A_559 : i32
      %swap3A_561 = arith.index_cast %add3A_560 : i32 to index
      %swap3A_562 = arith.constant 48 : index
      %swap3A_563 = tpu.vector_load %arg4[%swap3A_561, %swap3A_562] {strides = array<i32>} : memref<400x128xf32, #tpu.memory_space<vmem>>, vector<1x16xf32>,
      %swap3A_564 = vector.shape_cast %swap3A_563 : vector<1x16xf32> to vector<16xf32>
      %swap3A_565 = vector.shape_cast %get3A_19 : vector<16xf32> to vector<1x16xf32>
      tpu.vector_store %arg4[%swap3A_561, %swap3A_562], %swap3A_565 {strides = array<i32>} : memref<400x128xf32, #tpu.memory_space<vmem>>, vector<1x16xf32>,
      %mul3A_566 = arith.constant 4 : i32
      %mul3A_567 = arith.muli %scan3A_313, %mul3A_566 : i32
      %add3A_568 = arith.constant 3 : i32
      %add3A_569 = arith.addi %mul3A_567, %add3A_568 : i32
      %swap3A_570 = arith.index_cast %add3A_569 : i32 to index
      %swap3A_571 = arith.constant 64 : index
      %swap3A_572 = tpu.vector_load %arg4[%swap3A_570, %swap3A_571] {strides = array<i32>} : memref<400x128xf32, #tpu.memory_space<vmem>>, vector<1x16xf32>,
      %swap3A_573 = vector.shape_cast %swap3A_572 : vector<1x16xf32> to vector<16xf32>
      %swap3A_574 = vector.shape_cast %get3A_24 : vector<16xf32> to vector<1x16xf32>
      tpu.vector_store %arg4[%swap3A_570, %swap3A_571], %swap3A_574 {strides = array<i32>} : memref<400x128xf32, #tpu.memory_space<vmem>>, vector<1x16xf32>,
      %mul3A_575 = arith.constant 4 : i32
      %mul3A_576 = arith.muli %scan3A_313, %mul3A_575 : i32
      %add3A_577 = arith.constant 3 : i32
      %add3A_578 = arith.addi %mul3A_576, %add3A_577 : i32
      %swap3A_579 = arith.index_cast %add3A_578 : i32 to index
      %swap3A_580 = arith.constant 80 : index
      %swap3A_581 = tpu.vector_load %arg4[%swap3A_579, %swap3A_580] {strides = array<i32>} : memref<400x128xf32, #tpu.memory_space<vmem>>, vector<1x16xf32>,
      %swap3A_582 = vector.shape_cast %swap3A_581 : vector<1x16xf32> to vector<16xf32>
      %swap3A_583 = vector.shape_cast %get3A_29 : vector<16xf32> to vector<1x16xf32>
      tpu.vector_store %arg4[%swap3A_579, %swap3A_580], %swap3A_583 {strides = array<i32>} : memref<400x128xf32, #tpu.memory_space<vmem>>, vector<1x16xf32>,
      %mul3A_584 = arith.constant 4 : i32
      %mul3A_585 = arith.muli %scan3A_313, %mul3A_584 : i32
      %add3A_586 = arith.constant 3 : i32
      %add3A_587 = arith.addi %mul3A_585, %add3A_586 : i32
      %swap3A_588 = arith.index_cast %add3A_587 : i32 to index
      %swap3A_589 = arith.constant 96 : index
      %swap3A_590 = tpu.vector_load %arg4[%swap3A_588, %swap3A_589] {strides = array<i32>} : memref<400x128xf32, #tpu.memory_space<vmem>>, vector<1x16xf32>,
      %swap3A_591 = vector.shape_cast %swap3A_590 : vector<1x16xf32> to vector<16xf32>
      %swap3A_592 = vector.shape_cast %get3A_34 : vector<16xf32> to vector<1x16xf32>
      tpu.vector_store %arg4[%swap3A_588, %swap3A_589], %swap3A_592 {strides = array<i32>} : memref<400x128xf32, #tpu.memory_space<vmem>>, vector<1x16xf32>,
      %mul3A_593 = arith.constant 4 : i32
      %mul3A_594 = arith.muli %scan3A_313, %mul3A_593 : i32
      %add3A_595 = arith.constant 3 : i32
      %add3A_596 = arith.addi %mul3A_594, %add3A_595 : i32
      %swap3A_597 = arith.index_cast %add3A_596 : i32 to index
      %swap3A_598 = arith.constant 112 : index
      %swap3A_599 = tpu.vector_load %arg4[%swap3A_597, %swap3A_598] {strides = array<i32>} : memref<400x128xf32, #tpu.memory_space<vmem>>, vector<1x16xf32>,
      %swap3A_600 = vector.shape_cast %swap3A_599 : vector<1x16xf32> to vector<16xf32>
      %swap3A_601 = vector.shape_cast %get3A_39 : vector<16xf32> to vector<1x16xf32>
      tpu.vector_store %arg4[%swap3A_597, %swap3A_598], %swap3A_601 {strides = array<i32>} : memref<400x128xf32, #tpu.memory_space<vmem>>, vector<1x16xf32>,
    }
    %scan3A_44 = arith.constant 99 : i32
    %swap3A = arith.constant 1 : i32
    %swap3A_45 = arith.index_cast %swap3A : i32 to index
    %swap3A_46 = arith.constant 0 : index
    %swap3A_47 = tpu.vector_load %arg4[%swap3A_45, %swap3A_46] {strides = array<i32>} : memref<400x128xf32, #tpu.memory_space<vmem>>, vector<1x16xf32>,
    %swap3A_48 = vector.shape_cast %swap3A_47 : vector<1x16xf32> to vector<16xf32>
    %swap3A_49 = vector.shape_cast %get3A_4 : vector<16xf32> to vector<1x16xf32>
    tpu.vector_store %arg4[%swap3A_45, %swap3A_46], %swap3A_49 {strides = array<i32>} : memref<400x128xf32, #tpu.memory_space<vmem>>, vector<1x16xf32>,
    %swap3A_50 = arith.constant 1 : i32
    %swap3A_51 = arith.index_cast %swap3A_50 : i32 to index
    %swap3A_52 = arith.constant 16 : index
    %swap3A_53 = tpu.vector_load %arg4[%swap3A_51, %swap3A_52] {strides = array<i32>} : memref<400x128xf32, #tpu.memory_space<vmem>>, vector<1x16xf32>,
    %swap3A_54 = vector.shape_cast %swap3A_53 : vector<1x16xf32> to vector<16xf32>
    %swap3A_55 = vector.shape_cast %get3A_9 : vector<16xf32> to vector<1x16xf32>
    tpu.vector_store %arg4[%swap3A_51, %swap3A_52], %swap3A_55 {strides = array<i32>} : memref<400x128xf32, #tpu.memory_space<vmem>>, vector<1x16xf32>,
    %swap3A_56 = arith.constant 1 : i32
    %swap3A_57 = arith.index_cast %swap3A_56 : i32 to index
    %swap3A_58 = arith.constant 32 : index
    %swap3A_59 = tpu.vector_load %arg4[%swap3A_57, %swap3A_58] {strides = array<i32>} : memref<400x128xf32, #tpu.memory_space<vmem>>, vector<1x16xf32>,
    %swap3A_60 = vector.shape_cast %swap3A_59 : vector<1x16xf32> to vector<16xf32>
    %swap3A_61 = vector.shape_cast %get3A_14 : vector<16xf32> to vector<1x16xf32>
    tpu.vector_store %arg4[%swap3A_57, %swap3A_58], %swap3A_61 {strides = array<i32>} : memref<400x128xf32, #tpu.memory_space<vmem>>, vector<1x16xf32>,
    %swap3A_62 = arith.constant 1 : i32
    %swap3A_63 = arith.index_cast %swap3A_62 : i32 to index
    %swap3A_64 = arith.constant 48 : index
    %swap3A_65 = tpu.vector_load %arg4[%swap3A_63, %swap3A_64] {strides = array<i32>} : memref<400x128xf32, #tpu.memory_space<vmem>>, vector<1x16xf32>,
    %swap3A_66 = vector.shape_cast %swap3A_65 : vector<1x16xf32> to vector<16xf32>
    %swap3A_67 = vector.shape_cast %get3A_19 : vector<16xf32> to vector<1x16xf32>
    tpu.vector_store %arg4[%swap3A_63, %swap3A_64], %swap3A_67 {strides = array<i32>} : memref<400x128xf32, #tpu.memory_space<vmem>>, vector<1x16xf32>,
    %swap3A_68 = arith.constant 1 : i32
    %swap3A_69 = arith.index_cast %swap3A_68 : i32 to index
    %swap3A_70 = arith.constant 64 : index
    %swap3A_71 = tpu.vector_load %arg4[%swap3A_69, %swap3A_70] {strides = array<i32>} : memref<400x128xf32, #tpu.memory_space<vmem>>, vector<1x16xf32>,
    %swap3A_72 = vector.shape_cast %swap3A_71 : vector<1x16xf32> to vector<16xf32>
    %swap3A_73 = vector.shape_cast %get3A_24 : vector<16xf32> to vector<1x16xf32>
    tpu.vector_store %arg4[%swap3A_69, %swap3A_70], %swap3A_73 {strides = array<i32>} : memref<400x128xf32, #tpu.memory_space<vmem>>, vector<1x16xf32>,
    %swap3A_74 = arith.constant 1 : i32
    %swap3A_75 = arith.index_cast %swap3A_74 : i32 to index
    %swap3A_76 = arith.constant 80 : index
    %swap3A_77 = tpu.vector_load %arg4[%swap3A_75, %swap3A_76] {strides = array<i32>} : memref<400x128xf32, #tpu.memory_space<vmem>>, vector<1x16xf32>,
    %swap3A_78 = vector.shape_cast %swap3A_77 : vector<1x16xf32> to vector<16xf32>
    %swap3A_79 = vector.shape_cast %get3A_29 : vector<16xf32> to vector<1x16xf32>
    tpu.vector_store %arg4[%swap3A_75, %swap3A_76], %swap3A_79 {strides = array<i32>} : memref<400x128xf32, #tpu.memory_space<vmem>>, vector<1x16xf32>,
    %swap3A_80 = arith.constant 1 : i32
    %swap3A_81 = arith.index_cast %swap3A_80 : i32 to index
    %swap3A_82 = arith.constant 96 : index
    %swap3A_83 = tpu.vector_load %arg4[%swap3A_81, %swap3A_82] {strides = array<i32>} : memref<400x128xf32, #tpu.memory_space<vmem>>, vector<1x16xf32>,
    %swap3A_84 = vector.shape_cast %swap3A_83 : vector<1x16xf32> to vector<16xf32>
    %swap3A_85 = vector.shape_cast %get3A_34 : vector<16xf32> to vector<1x16xf32>
    tpu.vector_store %arg4[%swap3A_81, %swap3A_82], %swap3A_85 {strides = array<i32>} : memref<400x128xf32, #tpu.memory_space<vmem>>, vector<1x16xf32>,
    %swap3A_86 = arith.constant 1 : i32
    %swap3A_87 = arith.index_cast %swap3A_86 : i32 to index
    %swap3A_88 = arith.constant 112 : index
    %swap3A_89 = tpu.vector_load %arg4[%swap3A_87, %swap3A_88] {strides = array<i32>} : memref<400x128xf32, #tpu.memory_space<vmem>>, vector<1x16xf32>,
    %swap3A_90 = vector.shape_cast %swap3A_89 : vector<1x16xf32> to vector<16xf32>
    %swap3A_91 = vector.shape_cast %get3A_39 : vector<16xf32> to vector<1x16xf32>
    tpu.vector_store %arg4[%swap3A_87, %swap3A_88], %swap3A_91 {strides = array<i32>} : memref<400x128xf32, #tpu.memory_space<vmem>>, vector<1x16xf32>,
    %swap3A_92 = arith.constant 2 : i32
    %swap3A_93 = arith.index_cast %swap3A_92 : i32 to index
    %swap3A_94 = arith.constant 0 : index
    %swap3A_95 = tpu.vector_load %arg4[%swap3A_93, %swap3A_94] {strides = array<i32>} : memref<400x128xf32, #tpu.memory_space<vmem>>, vector<1x16xf32>,
    %swap3A_96 = vector.shape_cast %swap3A_95 : vector<1x16xf32> to vector<16xf32>
    %swap3A_97 = vector.shape_cast %get3A_4 : vector<16xf32> to vector<1x16xf32>
    tpu.vector_store %arg4[%swap3A_93, %swap3A_94], %swap3A_97 {strides = array<i32>} : memref<400x128xf32, #tpu.memory_space<vmem>>, vector<1x16xf32>,
    %swap3A_98 = arith.constant 2 : i32
    %swap3A_99 = arith.index_cast %swap3A_98 : i32 to index
    %swap3A_100 = arith.constant 16 : index
    %swap3A_101 = tpu.vector_load %arg4[%swap3A_99, %swap3A_100] {strides = array<i32>} : memref<400x128xf32, #tpu.memory_space<vmem>>, vector<1x16xf32>,
    %swap3A_102 = vector.shape_cast %swap3A_101 : vector<1x16xf32> to vector<16xf32>
    %swap3A_103 = vector.shape_cast %get3A_9 : vector<16xf32> to vector<1x16xf32>
    tpu.vector_store %arg4[%swap3A_99, %swap3A_100], %swap3A_103 {strides = array<i32>} : memref<400x128xf32, #tpu.memory_space<vmem>>, vector<1x16xf32>,
    %swap3A_104 = arith.constant 2 : i32
    %swap3A_105 = arith.index_cast %swap3A_104 : i32 to index
    %swap3A_106 = arith.constant 32 : index
    %swap3A_107 = tpu.vector_load %arg4[%swap3A_105, %swap3A_106] {strides = array<i32>} : memref<400x128xf32, #tpu.memory_space<vmem>>, vector<1x16xf32>,
    %swap3A_108 = vector.shape_cast %swap3A_107 : vector<1x16xf32> to vector<16xf32>
    %swap3A_109 = vector.shape_cast %get3A_14 : vector<16xf32> to vector<1x16xf32>
    tpu.vector_store %arg4[%swap3A_105, %swap3A_106], %swap3A_109 {strides = array<i32>} : memref<400x128xf32, #tpu.memory_space<vmem>>, vector<1x16xf32>,
    %swap3A_110 = arith.constant 2 : i32
    %swap3A_111 = arith.index_cast %swap3A_110 : i32 to index
    %swap3A_112 = arith.constant 48 : index
    %swap3A_113 = tpu.vector_load %arg4[%swap3A_111, %swap3A_112] {strides = array<i32>} : memref<400x128xf32, #tpu.memory_space<vmem>>, vector<1x16xf32>,
    %swap3A_114 = vector.shape_cast %swap3A_113 : vector<1x16xf32> to vector<16xf32>
    %swap3A_115 = vector.shape_cast %get3A_19 : vector<16xf32> to vector<1x16xf32>
    tpu.vector_store %arg4[%swap3A_111, %swap3A_112], %swap3A_115 {strides = array<i32>} : memref<400x128xf32, #tpu.memory_space<vmem>>, vector<1x16xf32>,
    %swap3A_116 = arith.constant 2 : i32
    %swap3A_117 = arith.index_cast %swap3A_116 : i32 to index
    %swap3A_118 = arith.constant 64 : index
    %swap3A_119 = tpu.vector_load %arg4[%swap3A_117, %swap3A_118] {strides = array<i32>} : memref<400x128xf32, #tpu.memory_space<vmem>>, vector<1x16xf32>,
    %swap3A_120 = vector.shape_cast %swap3A_119 : vector<1x16xf32> to vector<16xf32>
    %swap3A_121 = vector.shape_cast %get3A_24 : vector<16xf32> to vector<1x16xf32>
    tpu.vector_store %arg4[%swap3A_117, %swap3A_118], %swap3A_121 {strides = array<i32>} : memref<400x128xf32, #tpu.memory_space<vmem>>, vector<1x16xf32>,
    %swap3A_122 = arith.constant 2 : i32
    %swap3A_123 = arith.index_cast %swap3A_122 : i32 to index
    %swap3A_124 = arith.constant 80 : index
    %swap3A_125 = tpu.vector_load %arg4[%swap3A_123, %swap3A_124] {strides = array<i32>} : memref<400x128xf32, #tpu.memory_space<vmem>>, vector<1x16xf32>,
    %swap3A_126 = vector.shape_cast %swap3A_125 : vector<1x16xf32> to vector<16xf32>
    %swap3A_127 = vector.shape_cast %get3A_29 : vector<16xf32> to vector<1x16xf32>
    tpu.vector_store %arg4[%swap3A_123, %swap3A_124], %swap3A_127 {strides = array<i32>} : memref<400x128xf32, #tpu.memory_space<vmem>>, vector<1x16xf32>,
    %swap3A_128 = arith.constant 2 : i32
    %swap3A_129 = arith.index_cast %swap3A_128 : i32 to index
    %swap3A_130 = arith.constant 96 : index
    %swap3A_131 = tpu.vector_load %arg4[%swap3A_129, %swap3A_130] {strides = array<i32>} : memref<400x128xf32, #tpu.memory_space<vmem>>, vector<1x16xf32>,
    %swap3A_132 = vector.shape_cast %swap3A_131 : vector<1x16xf32> to vector<16xf32>
    %swap3A_133 = vector.shape_cast %get3A_34 : vector<16xf32> to vector<1x16xf32>
    tpu.vector_store %arg4[%swap3A_129, %swap3A_130], %swap3A_133 {strides = array<i32>} : memref<400x128xf32, #tpu.memory_space<vmem>>, vector<1x16xf32>,
    %swap3A_134 = arith.constant 2 : i32
    %swap3A_135 = arith.index_cast %swap3A_134 : i32 to index
    %swap3A_136 = arith.constant 112 : index
    %swap3A_137 = tpu.vector_load %arg4[%swap3A_135, %swap3A_136] {strides = array<i32>} : memref<400x128xf32, #tpu.memory_space<vmem>>, vector<1x16xf32>,
    %swap3A_138 = vector.shape_cast %swap3A_137 : vector<1x16xf32> to vector<16xf32>
    %swap3A_139 = vector.shape_cast %get3A_39 : vector<16xf32> to vector<1x16xf32>
    tpu.vector_store %arg4[%swap3A_135, %swap3A_136], %swap3A_139 {strides = array<i32>} : memref<400x128xf32, #tpu.memory_space<vmem>>, vector<1x16xf32>,
    %swap3A_140 = arith.constant 3 : i32
    %swap3A_141 = arith.index_cast %swap3A_140 : i32 to index
    %swap3A_142 = arith.constant 0 : index
    %swap3A_143 = tpu.vector_load %arg4[%swap3A_141, %swap3A_142] {strides = array<i32>} : memref<400x128xf32, #tpu.memory_space<vmem>>, vector<1x16xf32>,
    %swap3A_144 = vector.shape_cast %swap3A_143 : vector<1x16xf32> to vector<16xf32>
    %swap3A_145 = vector.shape_cast %get3A_4 : vector<16xf32> to vector<1x16xf32>
    tpu.vector_store %arg4[%swap3A_141, %swap3A_142], %swap3A_145 {strides = array<i32>} : memref<400x128xf32, #tpu.memory_space<vmem>>, vector<1x16xf32>,
    %swap3A_146 = arith.constant 3 : i32
    %swap3A_147 = arith.index_cast %swap3A_146 : i32 to index
    %swap3A_148 = arith.constant 16 : index
    %swap3A_149 = tpu.vector_load %arg4[%swap3A_147, %swap3A_148] {strides = array<i32>} : memref<400x128xf32, #tpu.memory_space<vmem>>, vector<1x16xf32>,
    %swap3A_150 = vector.shape_cast %swap3A_149 : vector<1x16xf32> to vector<16xf32>
    %swap3A_151 = vector.shape_cast %get3A_9 : vector<16xf32> to vector<1x16xf32>
    tpu.vector_store %arg4[%swap3A_147, %swap3A_148], %swap3A_151 {strides = array<i32>} : memref<400x128xf32, #tpu.memory_space<vmem>>, vector<1x16xf32>,
    %swap3A_152 = arith.constant 3 : i32
    %swap3A_153 = arith.index_cast %swap3A_152 : i32 to index
    %swap3A_154 = arith.constant 32 : index
    %swap3A_155 = tpu.vector_load %arg4[%swap3A_153, %swap3A_154] {strides = array<i32>} : memref<400x128xf32, #tpu.memory_space<vmem>>, vector<1x16xf32>,
    %swap3A_156 = vector.shape_cast %swap3A_155 : vector<1x16xf32> to vector<16xf32>
    %swap3A_157 = vector.shape_cast %get3A_14 : vector<16xf32> to vector<1x16xf32>
    tpu.vector_store %arg4[%swap3A_153, %swap3A_154], %swap3A_157 {strides = array<i32>} : memref<400x128xf32, #tpu.memory_space<vmem>>, vector<1x16xf32>,
    %swap3A_158 = arith.constant 3 : i32
    %swap3A_159 = arith.index_cast %swap3A_158 : i32 to index
    %swap3A_160 = arith.constant 48 : index
    %swap3A_161 = tpu.vector_load %arg4[%swap3A_159, %swap3A_160] {strides = array<i32>} : memref<400x128xf32, #tpu.memory_space<vmem>>, vector<1x16xf32>,
    %swap3A_162 = vector.shape_cast %swap3A_161 : vector<1x16xf32> to vector<16xf32>
    %swap3A_163 = vector.shape_cast %get3A_19 : vector<16xf32> to vector<1x16xf32>
    tpu.vector_store %arg4[%swap3A_159, %swap3A_160], %swap3A_163 {strides = array<i32>} : memref<400x128xf32, #tpu.memory_space<vmem>>, vector<1x16xf32>,
    %swap3A_164 = arith.constant 3 : i32
    %swap3A_165 = arith.index_cast %swap3A_164 : i32 to index
    %swap3A_166 = arith.constant 64 : index
    %swap3A_167 = tpu.vector_load %arg4[%swap3A_165, %swap3A_166] {strides = array<i32>} : memref<400x128xf32, #tpu.memory_space<vmem>>, vector<1x16xf32>,
    %swap3A_168 = vector.shape_cast %swap3A_167 : vector<1x16xf32> to vector<16xf32>
    %swap3A_169 = vector.shape_cast %get3A_24 : vector<16xf32> to vector<1x16xf32>
    tpu.vector_store %arg4[%swap3A_165, %swap3A_166], %swap3A_169 {strides = array<i32>} : memref<400x128xf32, #tpu.memory_space<vmem>>, vector<1x16xf32>,
    %swap3A_170 = arith.constant 3 : i32
    %swap3A_171 = arith.index_cast %swap3A_170 : i32 to index
    %swap3A_172 = arith.constant 80 : index
    %swap3A_173 = tpu.vector_load %arg4[%swap3A_171, %swap3A_172] {strides = array<i32>} : memref<400x128xf32, #tpu.memory_space<vmem>>, vector<1x16xf32>,
    %swap3A_174 = vector.shape_cast %swap3A_173 : vector<1x16xf32> to vector<16xf32>
    %swap3A_175 = vector.shape_cast %get3A_29 : vector<16xf32> to vector<1x16xf32>
    tpu.vector_store %arg4[%swap3A_171, %swap3A_172], %swap3A_175 {strides = array<i32>} : memref<400x128xf32, #tpu.memory_space<vmem>>, vector<1x16xf32>,
    %swap3A_176 = arith.constant 3 : i32
    %swap3A_177 = arith.index_cast %swap3A_176 : i32 to index
    %swap3A_178 = arith.constant 96 : index
    %swap3A_179 = tpu.vector_load %arg4[%swap3A_177, %swap3A_178] {strides = array<i32>} : memref<400x128xf32, #tpu.memory_space<vmem>>, vector<1x16xf32>,
    %swap3A_180 = vector.shape_cast %swap3A_179 : vector<1x16xf32> to vector<16xf32>
    %swap3A_181 = vector.shape_cast %get3A_34 : vector<16xf32> to vector<1x16xf32>
    tpu.vector_store %arg4[%swap3A_177, %swap3A_178], %swap3A_181 {strides = array<i32>} : memref<400x128xf32, #tpu.memory_space<vmem>>, vector<1x16xf32>,
    %swap3A_182 = arith.constant 3 : i32
    %swap3A_183 = arith.index_cast %swap3A_182 : i32 to index
    %swap3A_184 = arith.constant 112 : index
    %swap3A_185 = tpu.vector_load %arg4[%swap3A_183, %swap3A_184] {strides = array<i32>} : memref<400x128xf32, #tpu.memory_space<vmem>>, vector<1x16xf32>,
    %swap3A_186 = vector.shape_cast %swap3A_185 : vector<1x16xf32> to vector<16xf32>
    %swap3A_187 = vector.shape_cast %get3A_39 : vector<16xf32> to vector<1x16xf32>
    tpu.vector_store %arg4[%swap3A_183, %swap3A_184], %swap3A_187 {strides = array<i32>} : memref<400x128xf32, #tpu.memory_space<vmem>>, vector<1x16xf32>,
    %mul3A_188 = arith.constant 8 : i32
    %mul3A_189 = arith.muli %add3A, %mul3A_188 : i32
    %add3A_190 = arith.constant 0 : i32
    %add3A_191 = arith.addi %mul3A_189, %add3A_190 : i32
    %mul3A_192 = arith.constant 400 : i32
    %mul3A_193 = arith.muli %add3A_191, %mul3A_192 : i32
    %min3A = arith.constant 99600 : i32
    %min3A_194 = arith.minsi %mul3A_193, %min3A : i32
    %dma_start3A = arith.constant 0 : i32
    %dma_start3A_195 = tpu.memref_slice %arg3[%min3A_194, %dma_start3A] : memref<100000x128xf32, #tpu.memory_space<hbm>> -> memref<400x128xf32, #tpu.memory_space<hbm>>
    %dma_start3A_196 = arith.constant 0 : i32
    %dma_start3A_197 = tpu.memref_slice %arg3[%min3A_194, %dma_start3A_196] : memref<100000x128xf32, #tpu.memory_space<hbm>> -> memref<400x128xf32, #tpu.memory_space<hbm>>
    tpu.enqueue_dma source(%arg4 : memref<400x128xf32, #tpu.memory_space<vmem>>) target(%dma_start3A_197 : memref<400x128xf32, #tpu.memory_space<hbm>>) target_semaphore(%arg5 : memref<!tpu.dma_semaphore, #tpu.memory_space<semaphore_mem>>)
    %mul3A_198 = arith.constant 8 : i32
    %mul3A_199 = arith.muli %add3A, %mul3A_198 : i32
    %add3A_200 = arith.constant 1 : i32
    %add3A_201 = arith.addi %mul3A_199, %add3A_200 : i32
    %mul3A_202 = arith.constant 400 : i32
    %mul3A_203 = arith.muli %add3A_201, %mul3A_202 : i32
    %min3A_204 = arith.constant 99600 : i32
    %min3A_205 = arith.minsi %mul3A_203, %min3A_204 : i32
    %dma_start3A_206 = arith.constant 0 : i32
    %dma_start3A_207 = tpu.memref_slice %arg3[%min3A_205, %dma_start3A_206] : memref<100000x128xf32, #tpu.memory_space<hbm>> -> memref<400x128xf32, #tpu.memory_space<hbm>>
    %dma_start3A_208 = arith.constant 0 : i32
    %dma_start3A_209 = tpu.memref_slice %arg3[%min3A_205, %dma_start3A_208] : memref<100000x128xf32, #tpu.memory_space<hbm>> -> memref<400x128xf32, #tpu.memory_space<hbm>>
    tpu.enqueue_dma source(%arg4 : memref<400x128xf32, #tpu.memory_space<vmem>>) target(%dma_start3A_209 : memref<400x128xf32, #tpu.memory_space<hbm>>) target_semaphore(%arg5 : memref<!tpu.dma_semaphore, #tpu.memory_space<semaphore_mem>>)
    %mul3A_210 = arith.constant 8 : i32
    %mul3A_211 = arith.muli %add3A, %mul3A_210 : i32
    %add3A_212 = arith.constant 2 : i32
    %add3A_213 = arith.addi %mul3A_211, %add3A_212 : i32
    %mul3A_214 = arith.constant 400 : i32
    %mul3A_215 = arith.muli %add3A_213, %mul3A_214 : i32
    %min3A_216 = arith.constant 99600 : i32
    %min3A_217 = arith.minsi %mul3A_215, %min3A_216 : i32
    %dma_start3A_218 = arith.constant 0 : i32
    %dma_start3A_219 = tpu.memref_slice %arg3[%min3A_217, %dma_start3A_218] : memref<100000x128xf32, #tpu.memory_space<hbm>> -> memref<400x128xf32, #tpu.memory_space<hbm>>
    %dma_start3A_220 = arith.constant 0 : i32
    %dma_start3A_221 = tpu.memref_slice %arg3[%min3A_217, %dma_start3A_220] : memref<100000x128xf32, #tpu.memory_space<hbm>> -> memref<400x128xf32, #tpu.memory_space<hbm>>
    tpu.enqueue_dma source(%arg4 : memref<400x128xf32, #tpu.memory_space<vmem>>) target(%dma_start3A_221 : memref<400x128xf32, #tpu.memory_space<hbm>>) target_semaphore(%arg5 : memref<!tpu.dma_semaphore, #tpu.memory_space<semaphore_mem>>)
    %mul3A_222 = arith.constant 8 : i32
    %mul3A_223 = arith.muli %add3A, %mul3A_222 : i32
    %add3A_224 = arith.constant 3 : i32
    %add3A_225 = arith.addi %mul3A_223, %add3A_224 : i32
    %mul3A_226 = arith.constant 400 : i32
    %mul3A_227 = arith.muli %add3A_225, %mul3A_226 : i32
    %min3A_228 = arith.constant 99600 : i32
    %min3A_229 = arith.minsi %mul3A_227, %min3A_228 : i32
    %dma_start3A_230 = arith.constant 0 : i32
    %dma_start3A_231 = tpu.memref_slice %arg3[%min3A_229, %dma_start3A_230] : memref<100000x128xf32, #tpu.memory_space<hbm>> -> memref<400x128xf32, #tpu.memory_space<hbm>>
    %dma_start3A_232 = arith.constant 0 : i32
    %dma_start3A_233 = tpu.memref_slice %arg3[%min3A_229, %dma_start3A_232] : memref<100000x128xf32, #tpu.memory_space<hbm>> -> memref<400x128xf32, #tpu.memory_space<hbm>>
    tpu.enqueue_dma source(%arg4 : memref<400x128xf32, #tpu.memory_space<vmem>>) target(%dma_start3A_233 : memref<400x128xf32, #tpu.memory_space<hbm>>) target_semaphore(%arg5 : memref<!tpu.dma_semaphore, #tpu.memory_space<semaphore_mem>>)
    %mul3A_234 = arith.constant 8 : i32
    %mul3A_235 = arith.muli %add3A, %mul3A_234 : i32
    %add3A_236 = arith.constant 4 : i32
    %add3A_237 = arith.addi %mul3A_235, %add3A_236 : i32
    %mul3A_238 = arith.constant 400 : i32
    %mul3A_239 = arith.muli %add3A_237, %mul3A_238 : i32
    %min3A_240 = arith.constant 99600 : i32
    %min3A_241 = arith.minsi %mul3A_239, %min3A_240 : i32
    %dma_start3A_242 = arith.constant 0 : i32
    %dma_start3A_243 = tpu.memref_slice %arg3[%min3A_241, %dma_start3A_242] : memref<100000x128xf32, #tpu.memory_space<hbm>> -> memref<400x128xf32, #tpu.memory_space<hbm>>
    %dma_start3A_244 = arith.constant 0 : i32
    %dma_start3A_245 = tpu.memref_slice %arg3[%min3A_241, %dma_start3A_244] : memref<100000x128xf32, #tpu.memory_space<hbm>> -> memref<400x128xf32, #tpu.memory_space<hbm>>
    tpu.enqueue_dma source(%arg4 : memref<400x128xf32, #tpu.memory_space<vmem>>) target(%dma_start3A_245 : memref<400x128xf32, #tpu.memory_space<hbm>>) target_semaphore(%arg5 : memref<!tpu.dma_semaphore, #tpu.memory_space<semaphore_mem>>)
    %mul3A_246 = arith.constant 8 : i32
    %mul3A_247 = arith.muli %add3A, %mul3A_246 : i32
    %add3A_248 = arith.constant 5 : i32
    %add3A_249 = arith.addi %mul3A_247, %add3A_248 : i32
    %mul3A_250 = arith.constant 400 : i32
    %mul3A_251 = arith.muli %add3A_249, %mul3A_250 : i32
    %min3A_252 = arith.constant 99600 : i32
    %min3A_253 = arith.minsi %mul3A_251, %min3A_252 : i32
    %dma_start3A_254 = arith.constant 0 : i32
    %dma_start3A_255 = tpu.memref_slice %arg3[%min3A_253, %dma_start3A_254] : memref<100000x128xf32, #tpu.memory_space<hbm>> -> memref<400x128xf32, #tpu.memory_space<hbm>>
    %dma_start3A_256 = arith.constant 0 : i32
    %dma_start3A_257 = tpu.memref_slice %arg3[%min3A_253, %dma_start3A_256] : memref<100000x128xf32, #tpu.memory_space<hbm>> -> memref<400x128xf32, #tpu.memory_space<hbm>>
    tpu.enqueue_dma source(%arg4 : memref<400x128xf32, #tpu.memory_space<vmem>>) target(%dma_start3A_257 : memref<400x128xf32, #tpu.memory_space<hbm>>) target_semaphore(%arg5 : memref<!tpu.dma_semaphore, #tpu.memory_space<semaphore_mem>>)
    %mul3A_258 = arith.constant 8 : i32
    %mul3A_259 = arith.muli %add3A, %mul3A_258 : i32
    %add3A_260 = arith.constant 6 : i32
    %add3A_261 = arith.addi %mul3A_259, %add3A_260 : i32
    %mul3A_262 = arith.constant 400 : i32
    %mul3A_263 = arith.muli %add3A_261, %mul3A_262 : i32
    %min3A_264 = arith.constant 99600 : i32
    %min3A_265 = arith.minsi %mul3A_263, %min3A_264 : i32
    %dma_start3A_266 = arith.constant 0 : i32
    %dma_start3A_267 = tpu.memref_slice %arg3[%min3A_265, %dma_start3A_266] : memref<100000x128xf32, #tpu.memory_space<hbm>> -> memref<400x128xf32, #tpu.memory_space<hbm>>
    %dma_start3A_268 = arith.constant 0 : i32
    %dma_start3A_269 = tpu.memref_slice %arg3[%min3A_265, %dma_start3A_268] : memref<100000x128xf32, #tpu.memory_space<hbm>> -> memref<400x128xf32, #tpu.memory_space<hbm>>
    tpu.enqueue_dma source(%arg4 : memref<400x128xf32, #tpu.memory_space<vmem>>) target(%dma_start3A_269 : memref<400x128xf32, #tpu.memory_space<hbm>>) target_semaphore(%arg5 : memref<!tpu.dma_semaphore, #tpu.memory_space<semaphore_mem>>)
    %mul3A_270 = arith.constant 8 : i32
    %mul3A_271 = arith.muli %add3A, %mul3A_270 : i32
    %add3A_272 = arith.constant 7 : i32
    %add3A_273 = arith.addi %mul3A_271, %add3A_272 : i32
    %mul3A_274 = arith.constant 400 : i32
    %mul3A_275 = arith.muli %add3A_273, %mul3A_274 : i32
    %min3A_276 = arith.constant 99600 : i32
    %min3A_277 = arith.minsi %mul3A_275, %min3A_276 : i32
    %dma_start3A_278 = arith.constant 0 : i32
    %dma_start3A_279 = tpu.memref_slice %arg3[%min3A_277, %dma_start3A_278] : memref<100000x128xf32, #tpu.memory_space<hbm>> -> memref<400x128xf32, #tpu.memory_space<hbm>>
    %dma_start3A_280 = arith.constant 0 : i32
    %dma_start3A_281 = tpu.memref_slice %arg3[%min3A_277, %dma_start3A_280] : memref<100000x128xf32, #tpu.memory_space<hbm>> -> memref<400x128xf32, #tpu.memory_space<hbm>>
    tpu.enqueue_dma source(%arg4 : memref<400x128xf32, #tpu.memory_space<vmem>>) target(%dma_start3A_281 : memref<400x128xf32, #tpu.memory_space<hbm>>) target_semaphore(%arg5 : memref<!tpu.dma_semaphore, #tpu.memory_space<semaphore_mem>>)
    %dma_wait3A = arith.constant 0 : i32
    %dma_wait3A_282 = tpu.memref_slice %arg3[%min3A_194, %dma_wait3A] : memref<100000x128xf32, #tpu.memory_space<hbm>> -> memref<400x128xf32, #tpu.memory_space<hbm>>
    %dma_wait3A_283 = arith.constant 0 : i32
    %dma_wait3A_284 = tpu.memref_slice %arg3[%min3A_194, %dma_wait3A_283] : memref<100000x128xf32, #tpu.memory_space<hbm>> -> memref<400x128xf32, #tpu.memory_space<hbm>>
    tpu.wait_dma2 semaphore(%arg5 : memref<!tpu.dma_semaphore, #tpu.memory_space<semaphore_mem>>) src(%arg4 : memref<400x128xf32, #tpu.memory_space<vmem>>) dst(%dma_wait3A_284 : memref<400x128xf32, #tpu.memory_space<hbm>>)
    %dma_wait3A_285 = arith.constant 0 : i32
    %dma_wait3A_286 = tpu.memref_slice %arg3[%min3A_205, %dma_wait3A_285] : memref<100000x128xf32, #tpu.memory_space<hbm>> -> memref<400x128xf32, #tpu.memory_space<hbm>>
    %dma_wait3A_287 = arith.constant 0 : i32
    %dma_wait3A_288 = tpu.memref_slice %arg3[%min3A_205, %dma_wait3A_287] : memref<100000x128xf32, #tpu.memory_space<hbm>> -> memref<400x128xf32, #tpu.memory_space<hbm>>
    tpu.wait_dma2 semaphore(%arg5 : memref<!tpu.dma_semaphore, #tpu.memory_space<semaphore_mem>>) src(%arg4 : memref<400x128xf32, #tpu.memory_space<vmem>>) dst(%dma_wait3A_288 : memref<400x128xf32, #tpu.memory_space<hbm>>)
    %dma_wait3A_289 = arith.constant 0 : i32
    %dma_wait3A_290 = tpu.memref_slice %arg3[%min3A_217, %dma_wait3A_289] : memref<100000x128xf32, #tpu.memory_space<hbm>> -> memref<400x128xf32, #tpu.memory_space<hbm>>
    %dma_wait3A_291 = arith.constant 0 : i32
    %dma_wait3A_292 = tpu.memref_slice %arg3[%min3A_217, %dma_wait3A_291] : memref<100000x128xf32, #tpu.memory_space<hbm>> -> memref<400x128xf32, #tpu.memory_space<hbm>>
    tpu.wait_dma2 semaphore(%arg5 : memref<!tpu.dma_semaphore, #tpu.memory_space<semaphore_mem>>) src(%arg4 : memref<400x128xf32, #tpu.memory_space<vmem>>) dst(%dma_wait3A_292 : memref<400x128xf32, #tpu.memory_space<hbm>>)
    %dma_wait3A_293 = arith.constant 0 : i32
    %dma_wait3A_294 = tpu.memref_slice %arg3[%min3A_229, %dma_wait3A_293] : memref<100000x128xf32, #tpu.memory_space<hbm>> -> memref<400x128xf32, #tpu.memory_space<hbm>>
    %dma_wait3A_295 = arith.constant 0 : i32
    %dma_wait3A_296 = tpu.memref_slice %arg3[%min3A_229, %dma_wait3A_295] : memref<100000x128xf32, #tpu.memory_space<hbm>> -> memref<400x128xf32, #tpu.memory_space<hbm>>
    tpu.wait_dma2 semaphore(%arg5 : memref<!tpu.dma_semaphore, #tpu.memory_space<semaphore_mem>>) src(%arg4 : memref<400x128xf32, #tpu.memory_space<vmem>>) dst(%dma_wait3A_296 : memref<400x128xf32, #tpu.memory_space<hbm>>)
    %dma_wait3A_297 = arith.constant 0 : i32
    %dma_wait3A_298 = tpu.memref_slice %arg3[%min3A_241, %dma_wait3A_297] : memref<100000x128xf32, #tpu.memory_space<hbm>> -> memref<400x128xf32, #tpu.memory_space<hbm>>
    %dma_wait3A_299 = arith.constant 0 : i32
    %dma_wait3A_300 = tpu.memref_slice %arg3[%min3A_241, %dma_wait3A_299] : memref<100000x128xf32, #tpu.memory_space<hbm>> -> memref<400x128xf32, #tpu.memory_space<hbm>>
    tpu.wait_dma2 semaphore(%arg5 : memref<!tpu.dma_semaphore, #tpu.memory_space<semaphore_mem>>) src(%arg4 : memref<400x128xf32, #tpu.memory_space<vmem>>) dst(%dma_wait3A_300 : memref<400x128xf32, #tpu.memory_space<hbm>>)
    %dma_wait3A_301 = arith.constant 0 : i32
    %dma_wait3A_302 = tpu.memref_slice %arg3[%min3A_253, %dma_wait3A_301] : memref<100000x128xf32, #tpu.memory_space<hbm>> -> memref<400x128xf32, #tpu.memory_space<hbm>>
    %dma_wait3A_303 = arith.constant 0 : i32
    %dma_wait3A_304 = tpu.memref_slice %arg3[%min3A_253, %dma_wait3A_303] : memref<100000x128xf32, #tpu.memory_space<hbm>> -> memref<400x128xf32, #tpu.memory_space<hbm>>
    tpu.wait_dma2 semaphore(%arg5 : memref<!tpu.dma_semaphore, #tpu.memory_space<semaphore_mem>>) src(%arg4 : memref<400x128xf32, #tpu.memory_space<vmem>>) dst(%dma_wait3A_304 : memref<400x128xf32, #tpu.memory_space<hbm>>)
    %dma_wait3A_305 = arith.constant 0 : i32
    %dma_wait3A_306 = tpu.memref_slice %arg3[%min3A_265, %dma_wait3A_305] : memref<100000x128xf32, #tpu.memory_space<hbm>> -> memref<400x128xf32, #tpu.memory_space<hbm>>
    %dma_wait3A_307 = arith.constant 0 : i32
    %dma_wait3A_308 = tpu.memref_slice %arg3[%min3A_265, %dma_wait3A_307] : memref<100000x128xf32, #tpu.memory_space<hbm>> -> memref<400x128xf32, #tpu.memory_space<hbm>>
    tpu.wait_dma2 semaphore(%arg5 : memref<!tpu.dma_semaphore, #tpu.memory_space<semaphore_mem>>) src(%arg4 : memref<400x128xf32, #tpu.memory_space<vmem>>) dst(%dma_wait3A_308 : memref<400x128xf32, #tpu.memory_space<hbm>>)
    %dma_wait3A_309 = arith.constant 0 : i32
    %dma_wait3A_310 = tpu.memref_slice %arg3[%min3A_277, %dma_wait3A_309] : memref<100000x128xf32, #tpu.memory_space<hbm>> -> memref<400x128xf32, #tpu.memory_space<hbm>>
    %dma_wait3A_311 = arith.constant 0 : i32
    %dma_wait3A_312 = tpu.memref_slice %arg3[%min3A_277, %dma_wait3A_311] : memref<100000x128xf32, #tpu.memory_space<hbm>> -> memref<400x128xf32, #tpu.memory_space<hbm>>
    tpu.wait_dma2 semaphore(%arg5 : memref<!tpu.dma_semaphore, #tpu.memory_space<semaphore_mem>>) src(%arg4 : memref<400x128xf32, #tpu.memory_space<vmem>>) dst(%dma_wait3A_312 : memref<400x128xf32, #tpu.memory_space<hbm>>)
    return
  }
}

</mosaic_0001>

<sc_bundles>
// kernel: kernel.3.cloned.1.call-start
scs
__scs_entry_jumppad:
0x0: {  	(pc) =	sbr.rel $0x88, $3  }
0x1: {  	(tag) =	ssettag $0x0;
	lr =	simm.s32 $0x1  }
0x2: {  	[smem:$0x3FA0] =	sst lr;
	_ =	strace $0xD0000000  }
0x3: {  	_ = 	snop  }
0x4: {  	_ = 	snop  }
0x5: {  	_ = 	snop  }
0x6: {  	_ = 	snop  }
0x7: {  	_ = 	snop  }
__scs_overlays_trampoline_lowered:
0x8: {  	[smem:$0x3FAF] =	sst s0  }
0x9: {  	[smem:$0x3FB0] =	sst s1  }
0xa: {  	[smem:$0x3FB1] =	sst s2  }
0xb: {  	[smem:$0x3FB2] =	sst s3  }
0xc: {  	[smem:$0x3FB3] =	sst s4  }
0xd: {  	[smem:$0x3FB4] =	sst s5  }
0xe: {  	[smem:$0x3FB5] =	sst s6  }
0xf: {  	[smem:$0x3FB6] =	sst s7  }
0x10: {  	[smem:$0x3FB7] =	sst s8  }
0x11: {  	[smem:$0x3FB8] =	sst s9;
	s0 =	simm.s32 @!p0 $0x0  }
0x12: {  	s1 =	sld [smem:$0x3F9E];
	s0 =	simm.s32 @p0 $0x1  }
0x13: {  	[smem:$0x3FB9] =	sst s0;
	s0 =	simm.s32 @!p1 $0x0  }
0x14: {  	s2 =	sld [smem:$0x3F9D];
	s0 =	simm.s32 @p1 $0x1  }
0x15: {  	[smem:$0x3FBA] =	sst s0;
	s0 =	simm.s32 @!p2 $0x0  }
0x16: {  	s3 =	sld [smem:$0x3FDB];
	s0 =	simm.s32 @p2 $0x1  }
0x17: {  	s4 =	simm.s32 $0x1BF5;
	[smem:$0x3FBC] =	sst s0  }
0x18: {  	s0 =	sld [smem:$0x3F9F];
	_ =	swait.ge [sflag:s4], $0x0  }
0x19: {  	s7 =	sld [smem:$0x3FA0]  }
0x1a: {  	s8 =	sadd.s32 $0xFFFFE003, lr  }
0x1b: {  	s9 =	sadd.s32 $0xFFFFFEF7, lr;
	s5 =	simm.s32 $0xFFFFFFFF;
	p2 =	slt.u32 s8, $0xFFFFF086  }
0x1c: {  	p1 =	slt.u32 s9, $0xF7A;
	s5 =	simm.s32 @!p2 $0x0  }
0x1d: {  	s5 =	simm.s32 @p1 $0x1;
	p0 =	seq.s32 s7, s2  }
0x1e: {  	s7 =	smul.u32 @!p0 $0xF7A, s2;
	p2 =	seq.s32 @!p0 s5, $0x0  }
0x1f: {  	s9 =	smul.u32 $0xF7A, s1;
	s8 =	simm.s32 @!p0 $0x1BF5;
	p2 =	por !p2, p0  }
0x20: {  	[sflag:s8] =	ssyncset.s32 @!p0 $0xFFFFF086;
	s6 =	sadd.s32 @!p0 s3, s7;
	s7 =	simm.s32 @!p0 $0x108  }
0x21: {  	s3 =	sadd.s32 s3, s9;
	s6 =	sadd.s32 @!p0 $0x88, s6;
	s7 =	simm.s32 @p2 $0x1082  }
0x22: {  	[simem:s7], [sflag:s8] =	dma.local @!p0 [hbm:s6], $0xF7A  }
0x23: {  	s9 =	sor.u32 $0xD0000000, s2;
	s6 =	simm.s32 $0x108;
	_ =	swait.ge @!p0 [sflag:s8], $0x0  }
0x24: {  	s3 =	sadd.s32 $0x88, s3;
	s6 =	simm.s32 @!p1 $0x1082;
	[sflag:s4] =	ssyncset.s32 $0xFFFFF086  }
0x25: {  	[simem:s6], [sflag:s4] =	dma.local [hbm:s3], $0xF7A  }
0x26: {  	[smem:$0x3FA0] =	sst s1;
	(tag) =	ssettag s2;
	_ =	strace s9  }
0x27: {  	s1 =	sld [smem:$0x3FB0]  }
0x28: {  	s2 =	sld [smem:$0x3FB1]  }
0x29: {  	s4 =	sld [smem:$0x3FB3]  }
0x2a: {  	p0 =	seq.s32 s5, $0x0;
	s5 =	sld [smem:$0x3FB4]  }
0x2b: {  	s6 =	sld [smem:$0x3FB5]  }
0x2c: {  	s7 =	sld [smem:$0x3FB6]  }
0x2d: {  	s3 =	simm.s32 $0x108;
	s8 =	sld [smem:$0x3FB7]  }
0x2e: {  	s3 =	simm.s32 @!p0 $0x1082;
	s9 =	sld [smem:$0x3FB8]  }
0x2f: {  	lr =	sadd.s32 s0, s3;
	s0 =	sld [smem:$0x3FAF]  }
0x30: {  	s3 =	sld [smem:$0x3FB2]  }
0x31: {  	[smem:$0x3FBB] =	sst s10  }
0x32: {  	s10 =	sld [smem:$0x3FB9];
	_ =	sdelay $0x3  }
0x33: {  	p0 =	seq.s32 s10, $0x1;
	s10 =	sld [smem:$0x3FBB];
	_ =	sdelay $0x3  }
0x34: {  	[smem:$0x3FBB] =	sst s10  }
0x35: {  	s10 =	sld [smem:$0x3FBA];
	_ =	sdelay $0x3  }
0x36: {  	p1 =	seq.s32 s10, $0x1;
	s10 =	sld [smem:$0x3FBB];
	_ =	sdelay $0x3  }
0x37: {  	[smem:$0x3FBB] =	sst s10  }
0x38: {  	s10 =	sld [smem:$0x3FBC]  }
0x39: {  	_ = 	snop;
	(pc) =	sbr.ind lr, $3  }
0x3a: {  	_ = 	snop  }
0x3b: {  	_ = 	snop  }
0x3c: {  	p2 =	seq.s32 s10, $0x1;
	s10 =	sld [smem:$0x3FBB]  }
0x3d: {  	_ =	shalt  }
0x3e: {  	_ =	shalt  }
0x3f: {  	_ =	shalt  }
0x40: {  	_ =	shalt  }
0x41: {  	_ =	shalt  }
0x42: {  	_ =	shalt  }
0x43: {  	_ =	shalt  }
0x44: {  	_ =	shalt  }
0x45: {  	_ =	shalt  }
0x46: {  	_ =	shalt  }
0x47: {  	_ =	shalt  }
0x48: {  	_ =	shalt  }
0x49: {  	_ =	shalt  }
0x4a: {  	_ =	shalt  }
0x4b: {  	_ =	shalt  }
0x4c: {  	_ =	shalt  }
0x4d: {  	_ =	shalt  }
0x4e: {  	_ =	shalt  }
0x4f: {  	_ =	shalt  }
0x50: {  	_ =	shalt  }
0x51: {  	_ =	shalt  }
0x52: {  	_ =	shalt  }
0x53: {  	_ =	shalt  }
0x54: {  	_ =	shalt  }
0x55: {  	_ =	shalt  }
0x56: {  	_ =	shalt  }
0x57: {  	_ =	shalt  }
0x58: {  	_ =	shalt  }
0x59: {  	_ =	shalt  }
0x5a: {  	_ =	shalt  }
0x5b: {  	_ =	shalt  }
0x5c: {  	_ =	shalt  }
0x5d: {  	_ =	shalt  }
0x5e: {  	_ =	shalt  }
0x5f: {  	_ =	shalt  }
0x60: {  	_ =	shalt  }
0x61: {  	_ =	shalt  }
0x62: {  	_ =	shalt  }
0x63: {  	_ =	shalt  }
0x64: {  	_ =	shalt  }
0x65: {  	_ =	shalt  }
0x66: {  	_ =	shalt  }
0x67: {  	_ =	shalt  }
0x68: {  	_ =	shalt  }
0x69: {  	_ =	shalt  }
0x6a: {  	_ =	shalt  }
0x6b: {  	_ =	shalt  }
0x6c: {  	_ =	shalt  }
0x6d: {  	_ =	shalt  }
0x6e: {  	_ =	shalt  }
0x6f: {  	_ =	shalt  }
0x70: {  	_ =	shalt  }
0x71: {  	_ =	shalt  }
0x72: {  	_ =	shalt  }
0x73: {  	_ =	shalt  }
0x74: {  	_ =	shalt  }
0x75: {  	_ =	shalt  }
0x76: {  	_ =	shalt  }
0x77: {  	_ =	shalt  }
0x78: {  	_ =	shalt  }
0x79: {  	_ =	shalt  }
0x7a: {  	_ =	shalt  }
0x7b: {  	_ =	shalt  }
0x7c: {  	_ =	shalt  }
0x7d: {  	_ =	shalt  }
0x7e: {  	_ =	shalt  }
0x7f: {  	_ =	shalt  }
0x80: {  	_ =	shalt  }
0x81: {  	_ =	shalt  }
0x82: {  	_ =	shalt  }
0x83: {  	_ =	shalt  }
0x84: {  	_ =	shalt  }
0x85: {  	_ =	shalt  }
0x86: {  	_ =	shalt  }
0x87: {  	_ =	shalt  }
.Lfunc_end0:
.L_simem_size_0:
called_computation_lowered:
.L_overlay_start_0:
0x88: {  	s2 =	sld [smem:$0x3FD9]  }
0x89: {  	s3 =	sld [smem:$0x3FFE];
	_ =	sdelay $0x1  }
0x8a: {  	s1 =	srdreg.scid  }
0x8b: {  	s0 =	sand.u32 $0x1, s1  }
0x8c: {  	s18 =	sshll.u32 s0, $0xA;
	s2 =	sadd.s32 s3, s2  }
0x8d: {  	s2 =	sadd.s32 s2, s18  }
0x8e: {  	[smem:$0x3FC7] =	sst s2  }
0x8f: {  	_ = 	snop  }
0x90: {  	s2 =	sld [smem:$0x3FC9]  }
0x91: {  	s19 =	sld [smem:$0x3FD0];
	(tm) =	ssettm $0x1  }
0x92: {  	s4 =	sld [smem:$0x3FFB];
	_ =	sdelay $0x3  }
0x93: {  	_ =	strace s4  }
0x94: {  	s4 =	sld [smem:$0x3FFC];
	_ =	sdelay $0x3  }
0x95: {  	_ =	strace s4  }
0x96: {  	s4 =	sld [smem:$0x3FFD];
	_ =	sdelay $0x3  }
0x97: {  	_ =	strace s4  }
0x98: {  	_ =	strace $0x8FFFFFFF  }
0x99: {  	s20 =	sld [smem:$0x3FDB];
	_ =	sdelay $0x1  }
0x9a: {  	s5 =	simm.s32 $_scs_section_size  }
0x9b: {  	s6 =	simm.s32 $_size__tile_overlayer_lowered;
	s7 =	simm.s32 $_tile_overlayer_lowered  }
0x9c: {  	s23 =	simm.s32 $0x1BFF;
	s22 =	sshll.u32 s7, $0x1;
	s4 =	sadd.s32 s5, s20  }
0x9d: {  	s8 =	simm.s32 $0x0;
	s21 =	sshll.u32 s6, $0x1;
	s6 =	sadd.s32 s22, s4  }
0x9e: {  	[timem:s8], [sflag:s23] =	dma.local [hbm:s6], s21  }
0x9f: {  	_ =	swait.ge [sflag:s23], s21  }
0xa0: {  	s5 =	ssub.s32 $0x0, s21;
	[sflag:s23] =	ssyncset.done $0x0  }
0xa1: {  	[sflag:s23] =	ssyncadd.s32 s5;
	_ =	sdelay $0x1  }
0xa2: {  	s24 =	simm.s32 $0x1B8B  }
0xa3: {  	_ =	swait.ge [sflag:s24], $0x1  }
0xa4: {  	[sflag:s24] =	ssyncset.done $0x0  }
0xa5: {  	s25 =	simm.s32 $0x1B8E;
	[sflag:s24] =	ssyncadd.s32 $0xFFFFFFFF  }
0xa6: {  	s26 =	simm.s32 $execute0_lowered;
	[smem:$0x3FD2] =	sst s25  }
0xa7: {  	s5 =	sshll.u32 s26, $0x1;
	_ =	strace $0x80000046;
	[dreg:$0x1] =	wrdreg $0xFFFFFFFF  }
0xa8: {  	s28 =	simm.s32 $_size_execute0_lowered;
	s4 =	sadd.s32 s4, s5;
	[dreg:$0x0] =	wrdreg $0x0  }
0xa9: {  	s5 =	sshll.u32 s28, $0x1;
	[dreg:$0x2] =	wrdreg s4  }
0xaa: {  	[dreg:$0x3] =	wrdreg s5  }
0xab: {  	[dreg:$0x4] =	wrdreg $0xC0  }
0xac: {  	_ =	task [dreg:s8], $0x5FFFF  }
0xad: {  	[dreg:$0x1] =	wrdreg $0xFFFFFFFF  }
0xae: {  	[dreg:$0x0] =	wrdreg $0x60  }
0xaf: {  	[dreg:$0x2] =	wrdreg s2  }
0xb0: {  	[dreg:$0x3] =	wrdreg s19  }
0xb1: {  	[dreg:$0x4] =	wrdreg $0x9  }
0xb2: {  	_ =	task.clear_ibuf [dreg:s8], $0x5FFFF;
	_ =	strace $0x90000046  }
0xb3: {  	s29 =	simm.s32 $0x9;
	_ =	strace $0x80000048  }
0xb4: {  	_ =	swait.ge [sflag:s29], $0x1  }
0xb5: {  	[sflag:s29] =	ssyncadd.s32 $0xFFFFFFFF  }
0xb6: {  	_ =	strace $0x90000048  }
0xb7: {  	_ =	sfence  }
0xb8: {  	s30 =	sld [smem:$0x0];
	_ =	sdelay $0x2  }
0xb9: {  	s31 =	sshll.u32 s1, $0xD;
	s1 =	sshrl.u32 s1, $0x2  }
0xba: {  	s3 =	sand.u32 $0x4000, s31;
	s1 =	sadd.s32 s1, s30  }
0xbb: {  	s0 =	sor.u32 s3, s0;
	s1 =	sshll.u32 s1, $0x11  }
0xbc: {  	s0 =	sor.u32 s1, s0  }
0xbd: {  	s0 =	sadd.s32 $0x8F2B, s0  }
0xbe: {  	[sflag:s0] =	ssyncadd.remote.s32 $0x1  }
0xbf: {  	_ =	sfence.sel $0xFFFF  }
0xc0: {  	[dreg:$0x0] =	wrdreg $0xFFFFFFFF;
	(pc) =	sbr.abs _section_cstart, $3  }
0xc1: {  	[dreg:$0x1] =	wrdreg $0xFFFFFFFF  }
0xc2: {  	_ =	task.clear_ibuf [dreg:s8], $0x2FFFF;
	_ =	strace $0x9FFFFFFF  }
0xc3: {  	(tm) =	ssettm $0x7FFFFFFF  }
tec
execute0_lowered:
.L_overlay_start_1:
0x0: {  	(tag) =	ssettag $0x1  }
0x1: {  	s1 =	srdreg.scid;
	s0 =	stileid.u32  }
0x2: {  	s2 =	rddreg [dreg:$0x0];
	s4 =	sand.u32 $0x1, s1;
	s25 =	sshll.u32 s0, $0x1  }
0x3: {  	s10 =	rddreg [dreg:$0x1];
	s5 =	sor.u32 s4, s25  }
0x4: {  	s3 =	simm.s32 $0x0;
	s15 =	simm.s32 $0x0;
	s6 =	smul.u32 $0xC800, s5  }
0x5: {  	[smem:$0x7FF] =	sst s3;
	s7 =	ssub.s32 $0x2, s4;
	s9 =	smul.u32 $0xC80, s5  }
0x6: {  	s1 =	rddreg [dreg:$0x2];
	_ =	strace $0x80000047;
	s26 =	sshrl.u32 s7, $0x1  }
0x7: {  	s12 =	ssub.s32 s7, s26;
	s4 =	sadd.s32 s10, s6;
	s28 =	smin.u32 s9, $0x181F0  }
0x8: {  	s29 =	smin.u32 s9, $0x18060;
	s8 =	smin.u32 s9, $0x17ED0;
	s11 =	smin.u32 s9, $0x17D40  }
0x9: {  	s13 =	smin.u32 s9, $0x17BB0;
	s9 =	smin.u32 s9, $0x17A20;
	s12 =	smax.u32 s12, $0x1  }
0xa: {  	s5 =	sadd.s32 $0x1900, s4;
	s6 =	sshll.u32 s28, $0x4;
	s7 =	sshll.u32 s29, $0x4  }
0xb: {  	s8 =	sshll.u32 s8, $0x4;
	s11 =	sshll.u32 s11, $0x4;
	s13 =	sshll.u32 s13, $0x4  }
0xc: {  	s14 =	sshll.u32 s9, $0x4;
	s6 =	sadd.s32 s6, s10;
	s7 =	sadd.s32 s7, s10  }
0xd: {  	s8 =	sadd.s32 s8, s10;
	s11 =	sadd.s32 s11, s10;
	s30 =	sadd.s32 s13, s10  }
0xe: {  	s31 =	sadd.s32 s14, s10;
	s13 =	simm.s32 $0x2;
	s14 =	simm.s32 $0x1  }
0xf: {  	s6 =	sadd.s32 $0x3200, s6;
	s7 =	sadd.s32 $0x4B00, s7;
	s8 =	sadd.s32 $0x6400, s8  }
0x10: {  	s9 =	sadd.s32 $0x7D00, s11;
	s10 =	sadd.s32 $0x9600, s30;
	s11 =	sadd.s32 $0xAF00, s31  }
.LBB2_1:
0x11: {  	[tilespmem:s3], [sflag:$0x2] =	stream.linear.gather [hbm4b:s2+s3], $0x80, $0x38;
	[tilespmem:$0xC800] =	vst v63  }
0x12: {  	_ =	swait.ge [sflag:s13], $0x80  }
0x13: {  	[sflag:s13] =	ssyncset.done $0x0  }
0x14: {  	[sflag:s13] =	ssyncadd.s32 $0xFFFFFF80  }
0x15: {  	v0 =	vld [tilespmem:$0x0]  }
0x16: {  	v1 =	vld [tilespmem:$0x10]  }
0x17: {  	v2 =	vld [tilespmem:$0x20]  }
0x18: {  	v7 =	vld [tilespmem:$0x70]  }
0x19: {  	v3 =	vld [tilespmem:$0x30]  }
0x1a: {  	v4 =	vld [tilespmem:$0x40]  }
0x1b: {  	v5 =	vld [tilespmem:$0x50]  }
0x1c: {  	s16 =	simm.s32 $0x3F0;
	s17 =	simm.s32 $0x17C0;
	v6 =	vld [tilespmem:$0x60]  }
.LBB2_2:
0x1d: {  	p0 =	sne.s32 s17, $0x31FC0;
	[tilespmem:s16+$0x0] =	vst v7  }
0x1e: {  	[tilespmem:s16+$0xFFFFFE10] =	vst v0  }
0x1f: {  	[tilespmem:s16+$0xFFFFFE20] =	vst v1  }
0x20: {  	[tilespmem:s16+$0xFFFFFE30] =	vst v2  }
0x21: {  	[tilespmem:s16+$0xFFFFFE40] =	vst v3  }
0x22: {  	[tilespmem:s16+$0xFFFFFE50] =	vst v4  }
0x23: {  	[tilespmem:s16+$0xFFFFFE60] =	vst v5  }
0x24: {  	[tilespmem:s16+$0xFFFFFE70] =	vst v6  }
0x25: {  	[tilespmem:s16+$0xFFFFFE80] =	vst v7  }
0x26: {  	[tilespmem:s16+$0xFFFFFE90] =	vst v0  }
0x27: {  	[tilespmem:s16+$0xFFFFFEA0] =	vst v1  }
0x28: {  	[tilespmem:s16+$0xFFFFFEB0] =	vst v2  }
0x29: {  	[tilespmem:s16+$0xFFFFFEC0] =	vst v3  }
0x2a: {  	[tilespmem:s16+$0xFFFFFED0] =	vst v4  }
0x2b: {  	[tilespmem:s16+$0xFFFFFEE0] =	vst v5  }
0x2c: {  	[tilespmem:s16+$0xFFFFFEF0] =	vst v6  }
0x2d: {  	[tilespmem:s16+$0xFFFFFF00] =	vst v7  }
0x2e: {  	[tilespmem:s16+$0xFFFFFF10] =	vst v0  }
0x2f: {  	[tilespmem:s16+$0xFFFFFF20] =	vst v1  }
0x30: {  	[tilespmem:s16+$0xFFFFFF30] =	vst v2  }
0x31: {  	[tilespmem:s16+$0xFFFFFF40] =	vst v3  }
0x32: {  	[tilespmem:s16+$0xFFFFFF50] =	vst v4  }
0x33: {  	[tilespmem:s16+$0xFFFFFF60] =	vst v5  }
0x34: {  	[tilespmem:s16+$0xFFFFFF70] =	vst v6  }
0x35: {  	[tilespmem:s16+$0xFFFFFF80] =	vst v7  }
0x36: {  	[tilespmem:s16+$0xFFFFFF90] =	vst v0  }
0x37: {  	[tilespmem:s16+$0xFFFFFFA0] =	vst v1  }
.Ltmp0:
0x38: {  	[tilespmem:s16+$0xFFFFFFB0] =	vst v2;
	(pc) =	sbr.rel @p0 .LBB2_2-.Ltmp0, $4  }
0x39: {  	[tilespmem:s16+$0xFFFFFFC0] =	vst v3  }
0x3a: {  	[tilespmem:s16+$0xFFFFFFD0] =	vst v4  }
0x3b: {  	[tilespmem:s16+$0xFFFFFFE0] =	vst v5  }
0x3c: {  	[tilespmem:s16+$0xFFFFFFF0] =	vst v6;
	s16 =	sshra.s32 s17, $0x2;
	s17 =	sadd.s32 $0x800, s17  }
0x3d: {  	[tilespmem:s16+$0x0] =	vst v7  }
0x3e: {  	[tilespmem:s16+$0xFFFFFE10] =	vst v0  }
0x3f: {  	[tilespmem:s16+$0xFFFFFE20] =	vst v1  }
0x40: {  	[tilespmem:s16+$0xFFFFFE30] =	vst v2  }
0x41: {  	[tilespmem:s16+$0xFFFFFE40] =	vst v3  }
0x42: {  	[tilespmem:s16+$0xFFFFFE50] =	vst v4  }
0x43: {  	[tilespmem:s16+$0xFFFFFE60] =	vst v5  }
0x44: {  	[tilespmem:s16+$0xFFFFFE70] =	vst v6  }
0x45: {  	[tilespmem:s16+$0xFFFFFE80] =	vst v7  }
0x46: {  	[tilespmem:s16+$0xFFFFFE90] =	vst v0  }
0x47: {  	[tilespmem:s16+$0xFFFFFEA0] =	vst v1  }
0x48: {  	[tilespmem:s16+$0xFFFFFEB0] =	vst v2  }
0x49: {  	[tilespmem:s16+$0xFFFFFEC0] =	vst v3  }
0x4a: {  	[tilespmem:s16+$0xFFFFFED0] =	vst v4  }
0x4b: {  	[tilespmem:s16+$0xFFFFFEE0] =	vst v5  }
0x4c: {  	[tilespmem:s16+$0xFFFFFEF0] =	vst v6  }
0x4d: {  	[tilespmem:s16+$0xFFFFFF00] =	vst v7  }
0x4e: {  	[tilespmem:s16+$0xFFFFFF10] =	vst v0  }
0x4f: {  	[tilespmem:s16+$0xFFFFFF20] =	vst v1  }
0x50: {  	[tilespmem:s16+$0xFFFFFF30] =	vst v2  }
0x51: {  	[tilespmem:s16+$0xFFFFFF40] =	vst v3  }
0x52: {  	[tilespmem:s16+$0xFFFFFF50] =	vst v4  }
0x53: {  	[tilespmem:s16+$0xFFFFFF60] =	vst v5  }
0x54: {  	[tilespmem:s16+$0xFFFFFF70] =	vst v6  }
0x55: {  	[tilespmem:s16+$0xFFFFFF80] =	vst v7  }
0x56: {  	[tilespmem:s16+$0xFFFFFF90] =	vst v0  }
0x57: {  	[tilespmem:s16+$0xFFFFFFA0] =	vst v1  }
0x58: {  	[tilespmem:s16+$0xFFFFFFB0] =	vst v2  }
0x59: {  	[tilespmem:s16+$0xFFFFFFC0] =	vst v3  }
0x5a: {  	[tilespmem:s16+$0xFFFFFFD0] =	vst v4  }
0x5b: {  	[tilespmem:s16+$0xFFFFFFE0] =	vst v5  }
0x5c: {  	[tilespmem:s16+$0xFFFFFFF0] =	vst v6  }
0x5d: {  	[tilespmem:$0x80] =	vst v0  }
0x5e: {  	[tilespmem:$0x90] =	vst v1  }
0x5f: {  	[tilespmem:$0xA0] =	vst v2  }
0x60: {  	[tilespmem:$0xB0] =	vst v3  }
0x61: {  	[tilespmem:$0xC0] =	vst v4  }
0x62: {  	[tilespmem:$0xD0] =	vst v5  }
0x63: {  	[tilespmem:$0xE0] =	vst v6  }
0x64: {  	[tilespmem:$0xF0] =	vst v7  }
0x65: {  	[tilespmem:$0x100] =	vst v0  }
0x66: {  	[tilespmem:$0x110] =	vst v1  }
0x67: {  	[tilespmem:$0x120] =	vst v2  }
0x68: {  	[tilespmem:$0x130] =	vst v3  }
0x69: {  	[tilespmem:$0x140] =	vst v4  }
0x6a: {  	[tilespmem:$0x150] =	vst v5  }
0x6b: {  	[tilespmem:$0x160] =	vst v6  }
0x6c: {  	[tilespmem:$0x170] =	vst v7  }
0x6d: {  	[tilespmem:$0x180] =	vst v0  }
0x6e: {  	[tilespmem:$0x190] =	vst v1  }
0x6f: {  	[tilespmem:$0x1A0] =	vst v2  }
0x70: {  	[tilespmem:$0x1B0] =	vst v3  }
0x71: {  	[tilespmem:$0x1C0] =	vst v4  }
0x72: {  	[tilespmem:$0x1D0] =	vst v5  }
0x73: {  	[tilespmem:$0x1E0] =	vst v6  }
0x74: {  	[tilespmem:$0x1F0] =	vst v7  }
0x75: {  	[hbm4b:s4+s3] =	stream.linear.scatter [tilespmem:s3], [sflag:$0x1], $0xC800, $0x38;
	[tilespmem:$0xC800] =	vst v63  }
0x76: {  	_ = 	snop  }
0x77: {  	[hbm4b:s5+s3] =	stream.linear.scatter [tilespmem:s3], [sflag:$0x1], $0xC800, $0x38;
	[tilespmem:$0xC800] =	vst v63  }
0x78: {  	_ = 	snop  }
0x79: {  	[hbm4b:s6+s3] =	stream.linear.scatter [tilespmem:s3], [sflag:$0x1], $0xC800, $0x38;
	[tilespmem:$0xC800] =	vst v63  }
0x7a: {  	_ = 	snop  }
0x7b: {  	[hbm4b:s7+s3] =	stream.linear.scatter [tilespmem:s3], [sflag:$0x1], $0xC800, $0x38;
	[tilespmem:$0xC800] =	vst v63  }
0x7c: {  	_ = 	snop  }
0x7d: {  	[hbm4b:s8+s3] =	stream.linear.scatter [tilespmem:s3], [sflag:$0x1], $0xC800, $0x38;
	[tilespmem:$0xC800] =	vst v63  }
0x7e: {  	_ = 	snop  }
0x7f: {  	[hbm4b:s9+s3] =	stream.linear.scatter [tilespmem:s3], [sflag:$0x1], $0xC800, $0x38;
	[tilespmem:$0xC800] =	vst v63  }
0x80: {  	_ = 	snop  }
0x81: {  	[hbm4b:s10+s3] =	stream.linear.scatter [tilespmem:s3], [sflag:$0x1], $0xC800, $0x38;
	[tilespmem:$0xC800] =	vst v63  }
0x82: {  	_ = 	snop  }
0x83: {  	[hbm4b:s11+s3] =	stream.linear.scatter [tilespmem:s3], [sflag:$0x1], $0xC800, $0x38;
	[tilespmem:$0xC800] =	vst v63  }
0x84: {  	_ =	swait.ge [sflag:s14], $0xC800  }
0x85: {  	[sflag:s14] =	ssyncset.done $0x0  }
0x86: {  	[sflag:s14] =	ssyncadd.s32 $0xFFFF3800  }
0x87: {  	_ =	swait.ge [sflag:s14], $0xC800  }
0x88: {  	[sflag:s14] =	ssyncset.done $0x0  }
0x89: {  	[sflag:s14] =	ssyncadd.s32 $0xFFFF3800  }
0x8a: {  	_ =	swait.ge [sflag:s14], $0xC800  }
0x8b: {  	[sflag:s14] =	ssyncset.done $0x0  }
0x8c: {  	[sflag:s14] =	ssyncadd.s32 $0xFFFF3800  }
0x8d: {  	_ =	swait.ge [sflag:s14], $0xC800  }
0x8e: {  	[sflag:s14] =	ssyncset.done $0x0  }
0x8f: {  	[sflag:s14] =	ssyncadd.s32 $0xFFFF3800  }
0x90: {  	_ =	swait.ge [sflag:s14], $0xC800  }
0x91: {  	[sflag:s14] =	ssyncset.done $0x0  }
0x92: {  	[sflag:s14] =	ssyncadd.s32 $0xFFFF3800  }
0x93: {  	_ =	swait.ge [sflag:s14], $0xC800  }
0x94: {  	[sflag:s14] =	ssyncset.done $0x0  }
0x95: {  	s15 =	sadd.s32 $0x1, s15;
	[sflag:s14] =	ssyncadd.s32 $0xFFFF3800  }
0x96: {  	p0 =	sne.s32 s15, s12;
	_ =	swait.ge [sflag:s14], $0xC800  }
.Ltmp1:
0x97: {  	[sflag:s14] =	ssyncset.done $0x0;
	(pc) =	sbr.rel @p0 .LBB2_1-.Ltmp1, $4  }
0x98: {  	[sflag:s14] =	ssyncadd.s32 $0xFFFF3800  }
0x99: {  	_ =	swait.ge [sflag:s14], $0xC800  }
0x9a: {  	[sflag:s14] =	ssyncset.done $0x0  }
0x9b: {  	[sflag:s14] =	ssyncadd.s32 $0xFFFF3800  }
0x9c: {  	_ =	sfence.sel $0x180000  }
0x9d: {  	[bflag:$0x0] =	sbarrier.arrive $0xFFFF  }
0x9e: {  	p0 =	sne.s32 s0, $0x0;
	_ =	strace $0x90000047  }
0x9f: {  	s0 =	sadd.s32 @!p0 $0x100000, s1;
	[bflag:$0x2] =	sbarrier.arrive $0xFFFF  }
0xa0: {  	[sflag:s0] =	ssyncadd.tile.s32 @!p0 $0x1;
	_ =	shalt  }
.Lfunc_end2:
_tile_overlayer_lowered:
.L_overlay_start_2:
0xa1: {  	(tag) =	ssettag $0x2  }
0xa2: {  	s0 =	rddreg [dreg:$0x0];
	s2 =	stileid.u32  }
0xa3: {  	s1 =	rddreg [dreg:$0x1];
	p0 =	sne.s32 s2, $0x0  }
0xa4: {  	s3 =	rddreg [dreg:$0x2];
	[bflag:$0x3] =	sbarrier.arrive $0xFFFF;
	s2 =	simm.s32 @!p0 $0x1C02  }
0xa5: {  	[timem:s3], [sflag:s2] =	dma.local @!p0 [hbm:s0], s1  }
0xa6: {  	s0 =	simm.s32 @!p0 $0x2  }
0xa7: {  	_ =	swait.ge @!p0 [sflag:s0], s1  }
0xa8: {  	s1 =	ssub.s32 @!p0 $0x0, s1;
	[sflag:s0] =	ssyncset.done @!p0 $0x0  }
0xa9: {  	[sflag:s0] =	ssyncadd.s32 @!p0 s1  }
0xaa: {  	[bflag:$0x3] =	sbarrier.arrive $0xFFFF  }
0xab: {  	_ =	shalt  }

</sc_bundles>
